<compile_context>
chip_gen: v7x
topology: tpu7x:2x2x1
jax: 0.10.2.dev20260603
libtpu: 0.0.44.dev20260713+nightly
codegen_flags: <defaults>
</compile_context>

<pallas_src>
import functools

import jax
import jax.numpy as jnp
from jax import lax
from jax.experimental import pallas as pl
from jax.experimental.pallas import tpu as pltpu
from jax.experimental.pallas import tpu_sc as plsc

N = 10000
D = 128
H = 4
C = 32
MLPD = 512

NC = 2
NS = 16
NW = NC * NS

N_PAD = 10240
ROWW = 144
CHUNK = 128
IGRP = 8
BLK = 1024

_NEG = -1e30


def _k1_body(x_ref, w_ref, as_ref, ad_ref, t1_ref, t2_ref):
    i = pl.program_id(0)
    h = jnp.dot(x_ref[...], w_ref[...], preferred_element_type=jnp.float32,
                precision=lax.Precision.HIGHEST)
    a_s = jnp.dot(h, as_ref[...], preferred_element_type=jnp.float32,
                  precision=lax.Precision.HIGHEST)
    a_d = jnp.dot(h, ad_ref[...], preferred_element_type=jnp.float32,
                  precision=lax.Precision.HIGHEST)
    rows = i * BLK + lax.broadcasted_iota(jnp.int32, (BLK, 1), 0)
    sent = rows >= N
    a_s = jnp.where(sent, _NEG, a_s)
    a_d = jnp.where(sent, _NEG, a_d)
    z12 = jnp.zeros((BLK, 12), jnp.float32)
    t1_ref[...] = jnp.concatenate([h, a_s, z12], axis=1)
    t2_ref[...] = jnp.concatenate([a_d, z12], axis=1)


def _k2_body(t1_hbm, t2_hbm, idx_hbm, out_hbm,
             acc, hbuf, adbuf, sdbuf, sidx, didx, sem,
             *, n_chunks_per_tile):
    c = lax.axis_index("c")
    s = lax.axis_index("s")
    z16 = jnp.zeros((16,), jnp.float32)
    n = n_chunks_per_tile

    def zrow(r, _):
        for j in range(ROWW // 16):
            hbuf[r, pl.ds(16 * j, 16)] = z16
        return 0
    lax.fori_loop(0, CHUNK, zrow, 0)

    rows_per_tile = N_PAD // NS

    def zacc(k, _):
        pltpu.sync_copy(hbuf.at[pl.ds(0, 64)],
                        acc.at[pl.ds(s * rows_per_tile + k * 64, 64)])
        return 0
    lax.fori_loop(0, rows_per_tile // 64, zacc, 0)

    plsc.subcore_barrier()

    tile = c * NS + s
    lane = lax.iota(jnp.int32, 16)

    def compute():
        for g in range(CHUNK // 16):
            eidx = lane + (g * 16)
            for hh in range(H):
                col = jnp.full((16,), 128 + hh, jnp.int32)
                a_s = plsc.load_gather(hbuf, [eidx, col])
                a_d = plsc.load_gather(adbuf, [eidx, jnp.full((16,), hh, jnp.int32)])
                e = a_s + a_d
                e = jnp.where(e >= 0.0, e, 0.2 * e)
                w = jnp.exp(e)
                plsc.store_scatter(hbuf, [eidx, col], w)
        def edge_body(e, _):
            wv = hbuf[e, pl.ds(128, 16)]
            for j in range(8):
                hbuf[e, pl.ds(16 * j, 16)] = hbuf[e, pl.ds(16 * j, 16)] * wv[j // 2]
            return 0
        lax.fori_loop(0, CHUNK, edge_body, 0)

    def grp_body(g, _):
        pltpu.sync_copy(idx_hbm.at[tile * (n // IGRP) + g], sdbuf)

        def chunk_body(q, _):
            for j in range(CHUNK // 16):
                sidx[pl.ds(16 * j, 16)] = sdbuf[q, 0, 0, pl.ds(16 * j, 16)]
                didx[pl.ds(16 * j, 16)] = sdbuf[q, 1, 0, pl.ds(16 * j, 16)]
            pltpu.async_copy(t1_hbm.at[sidx], hbuf, sem).wait()
            pltpu.async_copy(t2_hbm.at[didx], adbuf, sem).wait()
            compute()
            pltpu.sync_copy(hbuf, acc.at[didx], add=True)
            return 0
        lax.fori_loop(0, IGRP, chunk_body, 0)
        return 0

    lax.fori_loop(0, n // IGRP, grp_body, 0)

    plsc.subcore_barrier()
    pltpu.sync_copy(acc.at[pl.ds(s * rows_per_tile, rows_per_tile)],
                    out_hbm.at[c, pl.ds(s * rows_per_tile, rows_per_tile)])


def _k3_body(x_ref, a0_ref, a1_ref, r_ref, bg_ref, g1_ref, be1_ref,
             w1_ref, b1_ref, w2_ref, b2_ref, g2_ref, be2_ref, o_ref):
    S = a0_ref[...] + a1_ref[...]
    gat = S[:, :128]
    den = S[:, 128:132]
    den128 = jnp.dot(den, r_ref[...], preferred_element_type=jnp.float32,
                     precision=lax.Precision.HIGHEST) + 1e-16
    gat = gat / den128 + bg_ref[...]
    y = x_ref[...] + gat
    mu = jnp.mean(y, axis=-1, keepdims=True)
    var = jnp.mean((y - mu) ** 2, axis=-1, keepdims=True)
    y = (y - mu) / jnp.sqrt(var + 1e-5) * g1_ref[...] + be1_ref[...]
    hmid = jnp.dot(y, w1_ref[...], preferred_element_type=jnp.float32,
                   precision=lax.Precision.HIGHEST) + b1_ref[...]
    hmid = 0.5 * hmid * (1.0 + lax.erf(hmid * 0.7071067811865476))
    mlp = jnp.dot(hmid, w2_ref[...], preferred_element_type=jnp.float32,
                  precision=lax.Precision.HIGHEST) + b2_ref[...]
    z = y + mlp
    mu = jnp.mean(z, axis=-1, keepdims=True)
    var = jnp.mean((z - mu) ** 2, axis=-1, keepdims=True)
    o_ref[...] = (z - mu) / jnp.sqrt(var + 1e-5) * g2_ref[...] + be2_ref[...]


@jax.jit
def kernel(x, edge_index, W, att_src, att_dst, bias_gat, gamma1, beta1,
           W1, b1, W2, b2, gamma2, beta2):
    f32 = jnp.float32
    x_pad = jnp.pad(x, ((0, N_PAD - N), (0, 0)))
    att_s = att_src.reshape(-1)
    att_d = att_dst.reshape(-1)
    mask = (jnp.arange(D)[:, None] // C == jnp.arange(H)[None, :]).astype(f32)
    As = att_s[:, None] * mask
    Ad = att_d[:, None] * mask
    R = mask.T

    E = edge_index.shape[1]
    e_tot = E + N
    n_chunks_per_tile = -(-e_tot // (NW * CHUNK))
    n_chunks_per_tile = -(-n_chunks_per_tile // IGRP) * IGRP
    e_pad = n_chunks_per_tile * NW * CHUNK
    loops = jnp.arange(N, dtype=jnp.int32)
    padv = jnp.full((e_pad - e_tot,), N, jnp.int32)
    src_ext = jnp.concatenate([edge_index[0], loops, padv])
    dst_ext = jnp.concatenate([edge_index[1], loops, padv])
    stacked = jnp.stack([src_ext.reshape(-1, CHUNK),
                         dst_ext.reshape(-1, CHUNK)], axis=1)
    idx2 = stacked.reshape(-1, IGRP, 2, 1, CHUNK)

    t1, t2 = pl.pallas_call(
        _k1_body,
        grid=(N_PAD // BLK,),
        in_specs=[
            pl.BlockSpec((BLK, D), lambda i: (i, 0)),
            pl.BlockSpec((D, D), lambda i: (0, 0)),
            pl.BlockSpec((D, H), lambda i: (0, 0)),
            pl.BlockSpec((D, H), lambda i: (0, 0)),
        ],
        out_specs=[
            pl.BlockSpec((BLK, ROWW), lambda i: (i, 0)),
            pl.BlockSpec((BLK, 16), lambda i: (i, 0)),
        ],
        out_shape=[
            jax.ShapeDtypeStruct((N_PAD, ROWW), f32),
            jax.ShapeDtypeStruct((N_PAD, 16), f32),
        ],
    )(x_pad, W, As, Ad)

    k2 = functools.partial(
        pl.kernel,
        out_type=jax.ShapeDtypeStruct((NC, N_PAD, ROWW), f32),
        mesh=plsc.VectorSubcoreMesh(core_axis_name="c", subcore_axis_name="s"),
        compiler_params=pltpu.CompilerParams(use_tc_tiling_on_sc=False,
                                             needs_layout_passes=False),
        scratch_types=[
            pltpu.VMEM_SHARED((N_PAD, ROWW), f32),
            pltpu.VMEM((CHUNK, ROWW), f32),
            pltpu.VMEM((CHUNK, 16), f32),
            pltpu.VMEM((IGRP, 2, 1, CHUNK), jnp.int32),
            pltpu.VMEM((CHUNK,), jnp.int32),
            pltpu.VMEM((CHUNK,), jnp.int32),
            pltpu.SemaphoreType.DMA,
        ],
    )(functools.partial(_k2_body, n_chunks_per_tile=n_chunks_per_tile))
    parts = k2(t1, t2, idx2)

    out = pl.pallas_call(
        _k3_body,
        grid=(N_PAD // BLK,),
        in_specs=[
            pl.BlockSpec((BLK, D), lambda i: (i, 0)),
            pl.BlockSpec((BLK, ROWW), lambda i: (i, 0)),
            pl.BlockSpec((BLK, ROWW), lambda i: (i, 0)),
            pl.BlockSpec((H, D), lambda i: (0, 0)),
            pl.BlockSpec((D,), lambda i: (0,)),
            pl.BlockSpec((D,), lambda i: (0,)),
            pl.BlockSpec((D,), lambda i: (0,)),
            pl.BlockSpec((D, MLPD), lambda i: (0, 0)),
            pl.BlockSpec((MLPD,), lambda i: (0,)),
            pl.BlockSpec((MLPD, D), lambda i: (0, 0)),
            pl.BlockSpec((D,), lambda i: (0,)),
            pl.BlockSpec((D,), lambda i: (0,)),
            pl.BlockSpec((D,), lambda i: (0,)),
        ],
        out_specs=pl.BlockSpec((BLK, D), lambda i: (i, 0)),
        out_shape=jax.ShapeDtypeStruct((N_PAD, D), f32),
    )(x_pad, parts[0], parts[1], R, bias_gat, gamma1, beta1,
      W1, b1, W2, b2, gamma2, beta2)

    return out[:N]

# --- scband reference (transcript-rebuilt; emitter-appended) ---
"""Pipeline reference for scband-graph-transformer-layer-30331059044551 (READ-ONLY COPY).

The authoritative reference and input builder live on the scoring server;
editing this copy changes nothing except your own understanding.
"""

import jax, jax.numpy as jnp
import numpy as np

N = 10000
E = 320000
D = 128
H = 4
C = 32
MLP = 512


def layer_norm(x, g, b):
    mu = jnp.mean(x, axis=-1, keepdims=True)
    var = jnp.mean((x - mu) ** 2, axis=-1, keepdims=True)
    return (x - mu) / jnp.sqrt(var + 1e-5) * g + b


def setup_inputs(seed: int = 0) -> dict:
    key = jax.random.key(seed)
    ks = jax.random.split(key, 8)
    x = jax.random.normal(ks[0], (N, D), dtype=jnp.float32)
    edge_index = jax.random.randint(ks[1], (2, E), 0, N, dtype=jnp.int32)
    s = 0.1
    W = jax.random.normal(ks[2], (D, H * C), dtype=jnp.float32) * s
    att_src = jax.random.normal(ks[3], (1, H, C), dtype=jnp.float32) * s
    att_dst = jax.random.normal(ks[4], (1, H, C), dtype=jnp.float32) * s
    bias_gat = jnp.zeros((H * C,), dtype=jnp.float32)
    gamma1 = jnp.ones((D,), dtype=jnp.float32)
    beta1 = jnp.zeros((D,), dtype=jnp.float32)
    W1 = jax.random.normal(ks[5], (D, MLP), dtype=jnp.float32) * s
    b1 = jnp.zeros((MLP,), dtype=jnp.float32)
    W2 = jax.random.normal(ks[6], (MLP, D), dtype=jnp.float32) * s
    b2 = jnp.zeros((D,), dtype=jnp.float32)
    gamma2 = jnp.ones((D,), dtype=jnp.float32)
    beta2 = jnp.zeros((D,), dtype=jnp.float32)
    return {"x": x, "edge_index": edge_index, "W": W, "att_src": att_src,
            "att_dst": att_dst, "bias_gat": bias_gat, "gamma1": gamma1,
            "beta1": beta1, "W1": W1, "b1": b1, "W2": W2, "b2": b2,
            "gamma2": gamma2, "beta2": beta2}


def gat_conv(x, edge_index, W, att_src, att_dst, bias_gat):
    # PyG GATConv, eval mode (dropout inactive), add_self_loops=True, concat=True
    n = x.shape[0]
    loops = jnp.arange(n, dtype=edge_index.dtype)
    src = jnp.concatenate([edge_index[0], loops])
    dst = jnp.concatenate([edge_index[1], loops])
    h = (x @ W).reshape(n, H, C)
    a_src = jnp.sum(h * att_src, axis=-1)  # [N, H]
    a_dst = jnp.sum(h * att_dst, axis=-1)  # [N, H]
    e = a_src[src] + a_dst[dst]            # [E+N, H]
    e = jax.nn.leaky_relu(e, negative_slope=0.2)
    e_max = jax.ops.segment_max(e, dst, num_segments=n)
    e_exp = jnp.exp(e - e_max[dst])
    denom = jax.ops.segment_sum(e_exp, dst, num_segments=n)
    alpha = e_exp / (denom[dst] + 1e-16)   # softmax over incoming edges
    msg = h[src] * alpha[:, :, None]
    out = jax.ops.segment_sum(msg, dst, num_segments=n)
    return out.reshape(n, H * C) + bias_gat


def reference(x, edge_index, W, att_src, att_dst, bias_gat, gamma1, beta1,
              W1, b1, W2, b2, gamma2, beta2):
    attn_out = gat_conv(x, edge_index, W, att_src, att_dst, bias_gat)
    x = layer_norm(x + attn_out, gamma1, beta1)
    h = jax.nn.gelu(x @ W1 + b1, approximate=False)
    mlp_out = h @ W2 + b2
    x = layer_norm(x + mlp_out, gamma2, beta2)
    return x

if __name__ == "__main__":
    import jax
    _d = setup_inputs()
    print(jax.jit(kernel)(*tuple(_d.values())))

</pallas_src>

<mosaic_0001>
#map = affine_map<(d0, d1) -> (0, 0)>
#map1 = affine_map<(d0, d1) -> (0, 0, 0, 0, 0)>
#map2 = affine_map<(d0, d1) -> (0, 0, 0)>
module attributes {stable_mosaic.version = 14 : i64} {
  func.func @_k2_body(%arg0: i32, %arg1: i32, %arg2: memref<10240x144xf32, #tpu.memory_space<hbm>>, %arg3: memref<10240x16xf32, #tpu.memory_space<hbm>>, %arg4: memref<352x8x2x1x128xi32, #tpu.memory_space<hbm>>, %arg5: memref<2x10240x144xf32, #tpu.memory_space<hbm>>, %arg6: memref<10240x144xf32, #tpu.memory_space<vmem_shared>>, %arg7: memref<128x144xf32, #tpu.memory_space<vmem>>, %arg8: memref<128x16xf32, #tpu.memory_space<vmem>>, %arg9: memref<8x2x1x128xi32, #tpu.memory_space<vmem>>, %arg10: memref<128xi32, #tpu.memory_space<vmem>>, %arg11: memref<128xi32, #tpu.memory_space<vmem>>, %arg12: memref<!tpu.dma_semaphore, #tpu.memory_space<semaphore_mem>>) attributes {dimension_semantics = [#tpu.dimension_semantics<core_parallel>, #tpu.dimension_semantics<subcore_parallel>], iteration_bounds = array<i64: 2, 16>, scalar_prefetch = 0 : i64, scratch_operands = 7 : i64, tpu.core_type = #tpu.core_type<sc_vector_subcore>, window_params = [{transform_indices = #map}, {transform_indices = #map}, {transform_indices = #map1}, {transform_indices = #map2}]} {
    %broadcast_in_dim3A = arith.constant 0.000000e+00 : f32
    %broadcast_in_dim3A_0 = vector.broadcast %broadcast_in_dim3A : f32 to vector<16xf32>
    %scan3A = arith.constant 0 : i32
    %scan3A_1 = arith.constant 0 : i32
    %scan3A_2 = arith.constant 128 : i32
    %scan3A_3 = arith.addi %scan3A_1, %scan3A_2 : i32
    %scan3A_4 = arith.constant 1 : i32
    %scan3A_5 = scf.for %scan3A_27 = %scan3A_1 to %scan3A_3 step %scan3A_4 iter_args(%scan3A_28 = %scan3A) -> (i32)  : i32 {
      %swap3A = arith.index_cast %scan3A_27 : i32 to index
      %swap3A_29 = arith.constant 0 : index
      %swap3A_30 = tpu.vector_load %arg7[%swap3A, %swap3A_29] {strides = array<i32>} : memref<128x144xf32, #tpu.memory_space<vmem>>, vector<16xf32>,
      tpu.vector_store %arg7[%swap3A, %swap3A_29], %broadcast_in_dim3A_0 {strides = array<i32>} : memref<128x144xf32, #tpu.memory_space<vmem>>, vector<16xf32>,
      %swap3A_31 = arith.index_cast %scan3A_27 : i32 to index
      %swap3A_32 = arith.constant 16 : index
      %swap3A_33 = tpu.vector_load %arg7[%swap3A_31, %swap3A_32] {strides = array<i32>} : memref<128x144xf32, #tpu.memory_space<vmem>>, vector<16xf32>,
      tpu.vector_store %arg7[%swap3A_31, %swap3A_32], %broadcast_in_dim3A_0 {strides = array<i32>} : memref<128x144xf32, #tpu.memory_space<vmem>>, vector<16xf32>,
      %swap3A_34 = arith.index_cast %scan3A_27 : i32 to index
      %swap3A_35 = arith.constant 32 : index
      %swap3A_36 = tpu.vector_load %arg7[%swap3A_34, %swap3A_35] {strides = array<i32>} : memref<128x144xf32, #tpu.memory_space<vmem>>, vector<16xf32>,
      tpu.vector_store %arg7[%swap3A_34, %swap3A_35], %broadcast_in_dim3A_0 {strides = array<i32>} : memref<128x144xf32, #tpu.memory_space<vmem>>, vector<16xf32>,
      %swap3A_37 = arith.index_cast %scan3A_27 : i32 to index
      %swap3A_38 = arith.constant 48 : index
      %swap3A_39 = tpu.vector_load %arg7[%swap3A_37, %swap3A_38] {strides = array<i32>} : memref<128x144xf32, #tpu.memory_space<vmem>>, vector<16xf32>,
      tpu.vector_store %arg7[%swap3A_37, %swap3A_38], %broadcast_in_dim3A_0 {strides = array<i32>} : memref<128x144xf32, #tpu.memory_space<vmem>>, vector<16xf32>,
      %swap3A_40 = arith.index_cast %scan3A_27 : i32 to index
      %swap3A_41 = arith.constant 64 : index
      %swap3A_42 = tpu.vector_load %arg7[%swap3A_40, %swap3A_41] {strides = array<i32>} : memref<128x144xf32, #tpu.memory_space<vmem>>, vector<16xf32>,
      tpu.vector_store %arg7[%swap3A_40, %swap3A_41], %broadcast_in_dim3A_0 {strides = array<i32>} : memref<128x144xf32, #tpu.memory_space<vmem>>, vector<16xf32>,
      %swap3A_43 = arith.index_cast %scan3A_27 : i32 to index
      %swap3A_44 = arith.constant 80 : index
      %swap3A_45 = tpu.vector_load %arg7[%swap3A_43, %swap3A_44] {strides = array<i32>} : memref<128x144xf32, #tpu.memory_space<vmem>>, vector<16xf32>,
      tpu.vector_store %arg7[%swap3A_43, %swap3A_44], %broadcast_in_dim3A_0 {strides = array<i32>} : memref<128x144xf32, #tpu.memory_space<vmem>>, vector<16xf32>,
      %swap3A_46 = arith.index_cast %scan3A_27 : i32 to index
      %swap3A_47 = arith.constant 96 : index
      %swap3A_48 = tpu.vector_load %arg7[%swap3A_46, %swap3A_47] {strides = array<i32>} : memref<128x144xf32, #tpu.memory_space<vmem>>, vector<16xf32>,
      tpu.vector_store %arg7[%swap3A_46, %swap3A_47], %broadcast_in_dim3A_0 {strides = array<i32>} : memref<128x144xf32, #tpu.memory_space<vmem>>, vector<16xf32>,
      %swap3A_49 = arith.index_cast %scan3A_27 : i32 to index
      %swap3A_50 = arith.constant 112 : index
      %swap3A_51 = tpu.vector_load %arg7[%swap3A_49, %swap3A_50] {strides = array<i32>} : memref<128x144xf32, #tpu.memory_space<vmem>>, vector<16xf32>,
      tpu.vector_store %arg7[%swap3A_49, %swap3A_50], %broadcast_in_dim3A_0 {strides = array<i32>} : memref<128x144xf32, #tpu.memory_space<vmem>>, vector<16xf32>,
      %swap3A_52 = arith.index_cast %scan3A_27 : i32 to index
      %swap3A_53 = arith.constant 128 : index
      %swap3A_54 = tpu.vector_load %arg7[%swap3A_52, %swap3A_53] {strides = array<i32>} : memref<128x144xf32, #tpu.memory_space<vmem>>, vector<16xf32>,
      tpu.vector_store %arg7[%swap3A_52, %swap3A_53], %broadcast_in_dim3A_0 {strides = array<i32>} : memref<128x144xf32, #tpu.memory_space<vmem>>, vector<16xf32>,
      %scan3A_55 = arith.constant 0 : i32
      scf.yield %scan3A_55 : i32
    }
    %scan3A_6 = arith.constant 128 : i32
    %scan3A_7 = arith.constant 0 : i32
    %scan3A_8 = arith.constant 0 : i32
    %scan3A_9 = arith.constant 10 : i32
    %scan3A_10 = arith.addi %scan3A_8, %scan3A_9 : i32
    %scan3A_11 = arith.constant 1 : i32
    %scan3A_12 = scf.for %scan3A_27 = %scan3A_8 to %scan3A_10 step %scan3A_11 iter_args(%scan3A_28 = %scan3A_7) -> (i32)  : i32 {
      %mul3A_29 = arith.constant 640 : i32
      %mul3A_30 = arith.muli %arg1, %mul3A_29 : i32
      %mul3A_31 = arith.constant 64 : i32
      %mul3A_32 = arith.muli %scan3A_27, %mul3A_31 : i32
      %add3A_33 = arith.addi %mul3A_30, %mul3A_32 : i32
      "tpu.region"() ({
        %run_scoped3A = tpu.sem_alloc : memref<!tpu.dma_semaphore, #tpu.memory_space<semaphore_mem>>
        %dma_start3A = arith.constant 0 : i32
        %dma_start3A_35 = arith.constant 0 : i32
        %dma_start3A_36 = tpu.memref_slice %arg7[%dma_start3A, %dma_start3A_35] : memref<128x144xf32, #tpu.memory_space<vmem>> -> memref<64x144xf32, #tpu.memory_space<vmem>>
        %dma_start3A_37 = arith.constant 0 : i32
        %dma_start3A_38 = tpu.memref_slice %arg6[%add3A_33, %dma_start3A_37] : memref<10240x144xf32, #tpu.memory_space<vmem_shared>> -> memref<64x144xf32, #tpu.memory_space<vmem_shared>>
        %dma_start3A_39 = arith.constant 0 : i32
        %dma_start3A_40 = tpu.memref_slice %arg6[%add3A_33, %dma_start3A_39] : memref<10240x144xf32, #tpu.memory_space<vmem_shared>> -> memref<64x144xf32, #tpu.memory_space<vmem_shared>>
        %dma_start3A_41 = arith.constant 0 : i32
        %dma_start3A_42 = arith.constant 0 : i32
        %dma_start3A_43 = tpu.memref_slice %arg7[%dma_start3A_41, %dma_start3A_42] : memref<128x144xf32, #tpu.memory_space<vmem>> -> memref<64x144xf32, #tpu.memory_space<vmem>>
        tpu.enqueue_dma source(%dma_start3A_43 : memref<64x144xf32, #tpu.memory_space<vmem>>) target(%dma_start3A_40 : memref<64x144xf32, #tpu.memory_space<vmem_shared>>) target_semaphore(%run_scoped3A : memref<!tpu.dma_semaphore, #tpu.memory_space<semaphore_mem>>)
        %dma_wait3A = arith.constant 0 : i32
        %dma_wait3A_44 = arith.constant 0 : i32
        %dma_wait3A_45 = tpu.memref_slice %arg7[%dma_wait3A, %dma_wait3A_44] : memref<128x144xf32, #tpu.memory_space<vmem>> -> memref<64x144xf32, #tpu.memory_space<vmem>>
        %dma_wait3A_46 = arith.constant 0 : i32
        %dma_wait3A_47 = tpu.memref_slice %arg6[%add3A_33, %dma_wait3A_46] : memref<10240x144xf32, #tpu.memory_space<vmem_shared>> -> memref<64x144xf32, #tpu.memory_space<vmem_shared>>
        %dma_wait3A_48 = arith.constant 0 : i32
        %dma_wait3A_49 = tpu.memref_slice %arg6[%add3A_33, %dma_wait3A_48] : memref<10240x144xf32, #tpu.memory_space<vmem_shared>> -> memref<64x144xf32, #tpu.memory_space<vmem_shared>>
        %dma_wait3A_50 = arith.constant 0 : i32
        %dma_wait3A_51 = arith.constant 0 : i32
        %dma_wait3A_52 = tpu.memref_slice %arg7[%dma_wait3A_50, %dma_wait3A_51] : memref<128x144xf32, #tpu.memory_space<vmem>> -> memref<64x144xf32, #tpu.memory_space<vmem>>
        tpu.wait_dma2 semaphore(%run_scoped3A : memref<!tpu.dma_semaphore, #tpu.memory_space<semaphore_mem>>) src(%dma_wait3A_52 : memref<64x144xf32, #tpu.memory_space<vmem>>) dst(%dma_wait3A_49 : memref<64x144xf32, #tpu.memory_space<vmem_shared>>)
        tpu.yield
      }) : () -> ()
      %scan3A_34 = arith.constant 0 : i32
      scf.yield %scan3A_34 : i32
    }
    %scan3A_13 = arith.constant 10 : i32
    %barrier3A = arith.constant 0 : index
    tpu.barrier barrier_id(%barrier3A)
    %mul3A = arith.constant 16 : i32
    %mul3A_14 = arith.muli %arg0, %mul3A : i32
    %add3A = arith.addi %mul3A_14, %arg1 : i32
    %iota3A = tpu.iota {dimensions = array<i32: 0>} : vector<16xi32>
    %scan3A_15 = arith.constant 0 : i32
    %scan3A_16 = arith.constant 0 : i32
    %scan3A_17 = arith.constant 11 : i32
    %scan3A_18 = arith.addi %scan3A_16, %scan3A_17 : i32
    %scan3A_19 = arith.constant 1 : i32
    %scan3A_20 = scf.for %scan3A_27 = %scan3A_16 to %scan3A_18 step %scan3A_19 iter_args(%scan3A_28 = %scan3A_15) -> (i32)  : i32 {
      %mul3A_29 = arith.constant 11 : i32
      %mul3A_30 = arith.muli %add3A, %mul3A_29 : i32
      %add3A_31 = arith.addi %mul3A_30, %scan3A_27 : i32
      "tpu.region"() ({
        %run_scoped3A = tpu.sem_alloc : memref<!tpu.dma_semaphore, #tpu.memory_space<semaphore_mem>>
        %dma_start3A = arith.constant 0 : i32
        %dma_start3A_40 = arith.constant 0 : i32
        %dma_start3A_41 = arith.constant 0 : i32
        %dma_start3A_42 = arith.constant 0 : i32
        %dma_start3A_43 = tpu.memref_slice %arg4[%add3A_31, %dma_start3A, %dma_start3A_40, %dma_start3A_41, %dma_start3A_42] : memref<352x8x2x1x128xi32, #tpu.memory_space<hbm>> -> memref<1x8x2x1x128xi32, #tpu.memory_space<hbm>>
        %dma_start3A_44 = tpu.memref_squeeze %dma_start3A_43 : memref<1x8x2x1x128xi32, #tpu.memory_space<hbm>> -> memref<8x2x1x128xi32, #tpu.memory_space<hbm>>
        %dma_start3A_45 = arith.constant 0 : i32
        %dma_start3A_46 = arith.constant 0 : i32
        %dma_start3A_47 = arith.constant 0 : i32
        %dma_start3A_48 = arith.constant 0 : i32
        %dma_start3A_49 = tpu.memref_slice %arg4[%add3A_31, %dma_start3A_45, %dma_start3A_46, %dma_start3A_47, %dma_start3A_48] : memref<352x8x2x1x128xi32, #tpu.memory_space<hbm>> -> memref<1x8x2x1x128xi32, #tpu.memory_space<hbm>>
        %dma_start3A_50 = tpu.memref_squeeze %dma_start3A_49 : memref<1x8x2x1x128xi32, #tpu.memory_space<hbm>> -> memref<8x2x1x128xi32, #tpu.memory_space<hbm>>
        tpu.enqueue_dma source(%dma_start3A_50 : memref<8x2x1x128xi32, #tpu.memory_space<hbm>>) target(%arg9 : memref<8x2x1x128xi32, #tpu.memory_space<vmem>>) target_semaphore(%run_scoped3A : memref<!tpu.dma_semaphore, #tpu.memory_space<semaphore_mem>>)
        %dma_wait3A = arith.constant 0 : i32
        %dma_wait3A_51 = arith.constant 0 : i32
        %dma_wait3A_52 = arith.constant 0 : i32
        %dma_wait3A_53 = arith.constant 0 : i32
        %dma_wait3A_54 = tpu.memref_slice %arg4[%add3A_31, %dma_wait3A, %dma_wait3A_51, %dma_wait3A_52, %dma_wait3A_53] : memref<352x8x2x1x128xi32, #tpu.memory_space<hbm>> -> memref<1x8x2x1x128xi32, #tpu.memory_space<hbm>>
        %dma_wait3A_55 = tpu.memref_squeeze %dma_wait3A_54 : memref<1x8x2x1x128xi32, #tpu.memory_space<hbm>> -> memref<8x2x1x128xi32, #tpu.memory_space<hbm>>
        %dma_wait3A_56 = arith.constant 0 : i32
        %dma_wait3A_57 = arith.constant 0 : i32
        %dma_wait3A_58 = arith.constant 0 : i32
        %dma_wait3A_59 = arith.constant 0 : i32
        %dma_wait3A_60 = tpu.memref_slice %arg4[%add3A_31, %dma_wait3A_56, %dma_wait3A_57, %dma_wait3A_58, %dma_wait3A_59] : memref<352x8x2x1x128xi32, #tpu.memory_space<hbm>> -> memref<1x8x2x1x128xi32, #tpu.memory_space<hbm>>
        %dma_wait3A_61 = tpu.memref_squeeze %dma_wait3A_60 : memref<1x8x2x1x128xi32, #tpu.memory_space<hbm>> -> memref<8x2x1x128xi32, #tpu.memory_space<hbm>>
        tpu.wait_dma2 semaphore(%run_scoped3A : memref<!tpu.dma_semaphore, #tpu.memory_space<semaphore_mem>>) src(%dma_wait3A_61 : memref<8x2x1x128xi32, #tpu.memory_space<hbm>>) dst(%arg9 : memref<8x2x1x128xi32, #tpu.memory_space<vmem>>)
        tpu.yield
      }) : () -> ()
      %scan3A_32 = arith.constant 0 : i32
      %scan3A_33 = arith.constant 0 : i32
      %scan3A_34 = arith.constant 8 : i32
      %scan3A_35 = arith.addi %scan3A_33, %scan3A_34 : i32
      %scan3A_36 = arith.constant 1 : i32
      %scan3A_37 = scf.for %scan3A_40 = %scan3A_33 to %scan3A_35 step %scan3A_36 iter_args(%scan3A_41 = %scan3A_32) -> (i32)  : i32 {
        %get3A = arith.constant 0 : i32
        %get3A_42 = arith.constant 0 : i32
        %get3A_43 = arith.index_cast %scan3A_40 : i32 to index
        %get3A_44 = arith.index_cast %get3A : i32 to index
        %get3A_45 = arith.index_cast %get3A_42 : i32 to index
        %get3A_46 = arith.constant 0 : index
        %get3A_47 = tpu.vector_load %arg9[%get3A_43, %get3A_44, %get3A_45, %get3A_46] {strides = array<i32>} : memref<8x2x1x128xi32, #tpu.memory_space<vmem>>, vector<16xi32>,
        %swap3A = arith.constant 0 : index
        %swap3A_48 = tpu.vector_load %arg10[%swap3A] {strides = array<i32>} : memref<128xi32, #tpu.memory_space<vmem>>, vector<16xi32>,
        tpu.vector_store %arg10[%swap3A], %get3A_47 {strides = array<i32>} : memref<128xi32, #tpu.memory_space<vmem>>, vector<16xi32>,
        %get3A_49 = arith.constant 1 : i32
        %get3A_50 = arith.constant 0 : i32
        %get3A_51 = arith.index_cast %scan3A_40 : i32 to index
        %get3A_52 = arith.index_cast %get3A_49 : i32 to index
        %get3A_53 = arith.index_cast %get3A_50 : i32 to index
        %get3A_54 = arith.constant 0 : index
        %get3A_55 = tpu.vector_load %arg9[%get3A_51, %get3A_52, %get3A_53, %get3A_54] {strides = array<i32>} : memref<8x2x1x128xi32, #tpu.memory_space<vmem>>, vector<16xi32>,
        %swap3A_56 = arith.constant 0 : index
        %swap3A_57 = tpu.vector_load %arg11[%swap3A_56] {strides = array<i32>} : memref<128xi32, #tpu.memory_space<vmem>>, vector<16xi32>,
        tpu.vector_store %arg11[%swap3A_56], %get3A_55 {strides = array<i32>} : memref<128xi32, #tpu.memory_space<vmem>>, vector<16xi32>,
        %get3A_58 = arith.constant 0 : i32
        %get3A_59 = arith.constant 0 : i32
        %get3A_60 = arith.index_cast %scan3A_40 : i32 to index
        %get3A_61 = arith.index_cast %get3A_58 : i32 to index
        %get3A_62 = arith.index_cast %get3A_59 : i32 to index
        %get3A_63 = arith.constant 16 : index
        %get3A_64 = tpu.vector_load %arg9[%get3A_60, %get3A_61, %get3A_62, %get3A_63] {strides = array<i32>} : memref<8x2x1x128xi32, #tpu.memory_space<vmem>>, vector<16xi32>,
        %swap3A_65 = arith.constant 16 : index
        %swap3A_66 = tpu.vector_load %arg10[%swap3A_65] {strides = array<i32>} : memref<128xi32, #tpu.memory_space<vmem>>, vector<16xi32>,
        tpu.vector_store %arg10[%swap3A_65], %get3A_64 {strides = array<i32>} : memref<128xi32, #tpu.memory_space<vmem>>, vector<16xi32>,
        %get3A_67 = arith.constant 1 : i32
        %get3A_68 = arith.constant 0 : i32
        %get3A_69 = arith.index_cast %scan3A_40 : i32 to index
        %get3A_70 = arith.index_cast %get3A_67 : i32 to index
        %get3A_71 = arith.index_cast %get3A_68 : i32 to index
        %get3A_72 = arith.constant 16 : index
        %get3A_73 = tpu.vector_load %arg9[%get3A_69, %get3A_70, %get3A_71, %get3A_72] {strides = array<i32>} : memref<8x2x1x128xi32, #tpu.memory_space<vmem>>, vector<16xi32>,
        %swap3A_74 = arith.constant 16 : index
        %swap3A_75 = tpu.vector_load %arg11[%swap3A_74] {strides = array<i32>} : memref<128xi32, #tpu.memory_space<vmem>>, vector<16xi32>,
        tpu.vector_store %arg11[%swap3A_74], %get3A_73 {strides = array<i32>} : memref<128xi32, #tpu.memory_space<vmem>>, vector<16xi32>,
        %get3A_76 = arith.constant 0 : i32
        %get3A_77 = arith.constant 0 : i32
        %get3A_78 = arith.index_cast %scan3A_40 : i32 to index
        %get3A_79 = arith.index_cast %get3A_76 : i32 to index
        %get3A_80 = arith.index_cast %get3A_77 : i32 to index
        %get3A_81 = arith.constant 32 : index
        %get3A_82 = tpu.vector_load %arg9[%get3A_78, %get3A_79, %get3A_80, %get3A_81] {strides = array<i32>} : memref<8x2x1x128xi32, #tpu.memory_space<vmem>>, vector<16xi32>,
        %swap3A_83 = arith.constant 32 : index
        %swap3A_84 = tpu.vector_load %arg10[%swap3A_83] {strides = array<i32>} : memref<128xi32, #tpu.memory_space<vmem>>, vector<16xi32>,
        tpu.vector_store %arg10[%swap3A_83], %get3A_82 {strides = array<i32>} : memref<128xi32, #tpu.memory_space<vmem>>, vector<16xi32>,
        %get3A_85 = arith.constant 1 : i32
        %get3A_86 = arith.constant 0 : i32
        %get3A_87 = arith.index_cast %scan3A_40 : i32 to index
        %get3A_88 = arith.index_cast %get3A_85 : i32 to index
        %get3A_89 = arith.index_cast %get3A_86 : i32 to index
        %get3A_90 = arith.constant 32 : index
        %get3A_91 = tpu.vector_load %arg9[%get3A_87, %get3A_88, %get3A_89, %get3A_90] {strides = array<i32>} : memref<8x2x1x128xi32, #tpu.memory_space<vmem>>, vector<16xi32>,
        %swap3A_92 = arith.constant 32 : index
        %swap3A_93 = tpu.vector_load %arg11[%swap3A_92] {strides = array<i32>} : memref<128xi32, #tpu.memory_space<vmem>>, vector<16xi32>,
        tpu.vector_store %arg11[%swap3A_92], %get3A_91 {strides = array<i32>} : memref<128xi32, #tpu.memory_space<vmem>>, vector<16xi32>,
        %get3A_94 = arith.constant 0 : i32
        %get3A_95 = arith.constant 0 : i32
        %get3A_96 = arith.index_cast %scan3A_40 : i32 to index
        %get3A_97 = arith.index_cast %get3A_94 : i32 to index
        %get3A_98 = arith.index_cast %get3A_95 : i32 to index
        %get3A_99 = arith.constant 48 : index
        %get3A_100 = tpu.vector_load %arg9[%get3A_96, %get3A_97, %get3A_98, %get3A_99] {strides = array<i32>} : memref<8x2x1x128xi32, #tpu.memory_space<vmem>>, vector<16xi32>,
        %swap3A_101 = arith.constant 48 : index
        %swap3A_102 = tpu.vector_load %arg10[%swap3A_101] {strides = array<i32>} : memref<128xi32, #tpu.memory_space<vmem>>, vector<16xi32>,
        tpu.vector_store %arg10[%swap3A_101], %get3A_100 {strides = array<i32>} : memref<128xi32, #tpu.memory_space<vmem>>, vector<16xi32>,
        %get3A_103 = arith.constant 1 : i32
        %get3A_104 = arith.constant 0 : i32
        %get3A_105 = arith.index_cast %scan3A_40 : i32 to index
        %get3A_106 = arith.index_cast %get3A_103 : i32 to index
        %get3A_107 = arith.index_cast %get3A_104 : i32 to index
        %get3A_108 = arith.constant 48 : index
        %get3A_109 = tpu.vector_load %arg9[%get3A_105, %get3A_106, %get3A_107, %get3A_108] {strides = array<i32>} : memref<8x2x1x128xi32, #tpu.memory_space<vmem>>, vector<16xi32>,
        %swap3A_110 = arith.constant 48 : index
        %swap3A_111 = tpu.vector_load %arg11[%swap3A_110] {strides = array<i32>} : memref<128xi32, #tpu.memory_space<vmem>>, vector<16xi32>,
        tpu.vector_store %arg11[%swap3A_110], %get3A_109 {strides = array<i32>} : memref<128xi32, #tpu.memory_space<vmem>>, vector<16xi32>,
        %get3A_112 = arith.constant 0 : i32
        %get3A_113 = arith.constant 0 : i32
        %get3A_114 = arith.index_cast %scan3A_40 : i32 to index
        %get3A_115 = arith.index_cast %get3A_112 : i32 to index
        %get3A_116 = arith.index_cast %get3A_113 : i32 to index
        %get3A_117 = arith.constant 64 : index
        %get3A_118 = tpu.vector_load %arg9[%get3A_114, %get3A_115, %get3A_116, %get3A_117] {strides = array<i32>} : memref<8x2x1x128xi32, #tpu.memory_space<vmem>>, vector<16xi32>,
        %swap3A_119 = arith.constant 64 : index
        %swap3A_120 = tpu.vector_load %arg10[%swap3A_119] {strides = array<i32>} : memref<128xi32, #tpu.memory_space<vmem>>, vector<16xi32>,
        tpu.vector_store %arg10[%swap3A_119], %get3A_118 {strides = array<i32>} : memref<128xi32, #tpu.memory_space<vmem>>, vector<16xi32>,
        %get3A_121 = arith.constant 1 : i32
        %get3A_122 = arith.constant 0 : i32
        %get3A_123 = arith.index_cast %scan3A_40 : i32 to index
        %get3A_124 = arith.index_cast %get3A_121 : i32 to index
        %get3A_125 = arith.index_cast %get3A_122 : i32 to index
        %get3A_126 = arith.constant 64 : index
        %get3A_127 = tpu.vector_load %arg9[%get3A_123, %get3A_124, %get3A_125, %get3A_126] {strides = array<i32>} : memref<8x2x1x128xi32, #tpu.memory_space<vmem>>, vector<16xi32>,
        %swap3A_128 = arith.constant 64 : index
        %swap3A_129 = tpu.vector_load %arg11[%swap3A_128] {strides = array<i32>} : memref<128xi32, #tpu.memory_space<vmem>>, vector<16xi32>,
        tpu.vector_store %arg11[%swap3A_128], %get3A_127 {strides = array<i32>} : memref<128xi32, #tpu.memory_space<vmem>>, vector<16xi32>,
        %get3A_130 = arith.constant 0 : i32
        %get3A_131 = arith.constant 0 : i32
        %get3A_132 = arith.index_cast %scan3A_40 : i32 to index
        %get3A_133 = arith.index_cast %get3A_130 : i32 to index
        %get3A_134 = arith.index_cast %get3A_131 : i32 to index
        %get3A_135 = arith.constant 80 : index
        %get3A_136 = tpu.vector_load %arg9[%get3A_132, %get3A_133, %get3A_134, %get3A_135] {strides = array<i32>} : memref<8x2x1x128xi32, #tpu.memory_space<vmem>>, vector<16xi32>,
        %swap3A_137 = arith.constant 80 : index
        %swap3A_138 = tpu.vector_load %arg10[%swap3A_137] {strides = array<i32>} : memref<128xi32, #tpu.memory_space<vmem>>, vector<16xi32>,
        tpu.vector_store %arg10[%swap3A_137], %get3A_136 {strides = array<i32>} : memref<128xi32, #tpu.memory_space<vmem>>, vector<16xi32>,
        %get3A_139 = arith.constant 1 : i32
        %get3A_140 = arith.constant 0 : i32
        %get3A_141 = arith.index_cast %scan3A_40 : i32 to index
        %get3A_142 = arith.index_cast %get3A_139 : i32 to index
        %get3A_143 = arith.index_cast %get3A_140 : i32 to index
        %get3A_144 = arith.constant 80 : index
        %get3A_145 = tpu.vector_load %arg9[%get3A_141, %get3A_142, %get3A_143, %get3A_144] {strides = array<i32>} : memref<8x2x1x128xi32, #tpu.memory_space<vmem>>, vector<16xi32>,
        %swap3A_146 = arith.constant 80 : index
        %swap3A_147 = tpu.vector_load %arg11[%swap3A_146] {strides = array<i32>} : memref<128xi32, #tpu.memory_space<vmem>>, vector<16xi32>,
        tpu.vector_store %arg11[%swap3A_146], %get3A_145 {strides = array<i32>} : memref<128xi32, #tpu.memory_space<vmem>>, vector<16xi32>,
        %get3A_148 = arith.constant 0 : i32
        %get3A_149 = arith.constant 0 : i32
        %get3A_150 = arith.index_cast %scan3A_40 : i32 to index
        %get3A_151 = arith.index_cast %get3A_148 : i32 to index
        %get3A_152 = arith.index_cast %get3A_149 : i32 to index
        %get3A_153 = arith.constant 96 : index
        %get3A_154 = tpu.vector_load %arg9[%get3A_150, %get3A_151, %get3A_152, %get3A_153] {strides = array<i32>} : memref<8x2x1x128xi32, #tpu.memory_space<vmem>>, vector<16xi32>,
        %swap3A_155 = arith.constant 96 : index
        %swap3A_156 = tpu.vector_load %arg10[%swap3A_155] {strides = array<i32>} : memref<128xi32, #tpu.memory_space<vmem>>, vector<16xi32>,
        tpu.vector_store %arg10[%swap3A_155], %get3A_154 {strides = array<i32>} : memref<128xi32, #tpu.memory_space<vmem>>, vector<16xi32>,
        %get3A_157 = arith.constant 1 : i32
        %get3A_158 = arith.constant 0 : i32
        %get3A_159 = arith.index_cast %scan3A_40 : i32 to index
        %get3A_160 = arith.index_cast %get3A_157 : i32 to index
        %get3A_161 = arith.index_cast %get3A_158 : i32 to index
        %get3A_162 = arith.constant 96 : index
        %get3A_163 = tpu.vector_load %arg9[%get3A_159, %get3A_160, %get3A_161, %get3A_162] {strides = array<i32>} : memref<8x2x1x128xi32, #tpu.memory_space<vmem>>, vector<16xi32>,
        %swap3A_164 = arith.constant 96 : index
        %swap3A_165 = tpu.vector_load %arg11[%swap3A_164] {strides = array<i32>} : memref<128xi32, #tpu.memory_space<vmem>>, vector<16xi32>,
        tpu.vector_store %arg11[%swap3A_164], %get3A_163 {strides = array<i32>} : memref<128xi32, #tpu.memory_space<vmem>>, vector<16xi32>,
        %get3A_166 = arith.constant 0 : i32
        %get3A_167 = arith.constant 0 : i32
        %get3A_168 = arith.index_cast %scan3A_40 : i32 to index
        %get3A_169 = arith.index_cast %get3A_166 : i32 to index
        %get3A_170 = arith.index_cast %get3A_167 : i32 to index
        %get3A_171 = arith.constant 112 : index
        %get3A_172 = tpu.vector_load %arg9[%get3A_168, %get3A_169, %get3A_170, %get3A_171] {strides = array<i32>} : memref<8x2x1x128xi32, #tpu.memory_space<vmem>>, vector<16xi32>,
        %swap3A_173 = arith.constant 112 : index
        %swap3A_174 = tpu.vector_load %arg10[%swap3A_173] {strides = array<i32>} : memref<128xi32, #tpu.memory_space<vmem>>, vector<16xi32>,
        tpu.vector_store %arg10[%swap3A_173], %get3A_172 {strides = array<i32>} : memref<128xi32, #tpu.memory_space<vmem>>, vector<16xi32>,
        %get3A_175 = arith.constant 1 : i32
        %get3A_176 = arith.constant 0 : i32
        %get3A_177 = arith.index_cast %scan3A_40 : i32 to index
        %get3A_178 = arith.index_cast %get3A_175 : i32 to index
        %get3A_179 = arith.index_cast %get3A_176 : i32 to index
        %get3A_180 = arith.constant 112 : index
        %get3A_181 = tpu.vector_load %arg9[%get3A_177, %get3A_178, %get3A_179, %get3A_180] {strides = array<i32>} : memref<8x2x1x128xi32, #tpu.memory_space<vmem>>, vector<16xi32>,
        %swap3A_182 = arith.constant 112 : index
        %swap3A_183 = tpu.vector_load %arg11[%swap3A_182] {strides = array<i32>} : memref<128xi32, #tpu.memory_space<vmem>>, vector<16xi32>,
        tpu.vector_store %arg11[%swap3A_182], %get3A_181 {strides = array<i32>} : memref<128xi32, #tpu.memory_space<vmem>>, vector<16xi32>,
        %dma_start3A = arith.constant 0 : i32
        %dma_start3A_184 = arith.constant 0 : i32
        %dma_start3A_185 = tpu.memref_slice %arg2[%dma_start3A, %dma_start3A_184] : memref<10240x144xf32, #tpu.memory_space<hbm>> -> memref<10240x144xf32, #tpu.memory_space<hbm>>
        tpu.enqueue_indirect_dma source(%dma_start3A_185 : memref<10240x144xf32, #tpu.memory_space<hbm>>) target(%arg7 : memref<128x144xf32, #tpu.memory_space<vmem>>) offsets(%arg10 : memref<128xi32, #tpu.memory_space<vmem>>) semaphore(%arg12 : memref<!tpu.dma_semaphore, #tpu.memory_space<semaphore_mem>>)
        %dma_wait3A = arith.constant 0 : i32
        %dma_wait3A_186 = arith.constant 0 : i32
        %dma_wait3A_187 = tpu.memref_slice %arg2[%dma_wait3A, %dma_wait3A_186] : memref<10240x144xf32, #tpu.memory_space<hbm>> -> memref<10240x144xf32, #tpu.memory_space<hbm>>
        tpu.wait_indirect_dma semaphore(%arg12 : memref<!tpu.dma_semaphore, #tpu.memory_space<semaphore_mem>>) src(%dma_wait3A_187 : memref<10240x144xf32, #tpu.memory_space<hbm>>) dst(%arg7 : memref<128x144xf32, #tpu.memory_space<vmem>>)
        %dma_start3A_188 = arith.constant 0 : i32
        %dma_start3A_189 = arith.constant 0 : i32
        %dma_start3A_190 = tpu.memref_slice %arg3[%dma_start3A_188, %dma_start3A_189] : memref<10240x16xf32, #tpu.memory_space<hbm>> -> memref<10240x16xf32, #tpu.memory_space<hbm>>
        tpu.enqueue_indirect_dma source(%dma_start3A_190 : memref<10240x16xf32, #tpu.memory_space<hbm>>) target(%arg8 : memref<128x16xf32, #tpu.memory_space<vmem>>) offsets(%arg11 : memref<128xi32, #tpu.memory_space<vmem>>) semaphore(%arg12 : memref<!tpu.dma_semaphore, #tpu.memory_space<semaphore_mem>>)
        %dma_wait3A_191 = arith.constant 0 : i32
        %dma_wait3A_192 = arith.constant 0 : i32
        %dma_wait3A_193 = tpu.memref_slice %arg3[%dma_wait3A_191, %dma_wait3A_192] : memref<10240x16xf32, #tpu.memory_space<hbm>> -> memref<10240x16xf32, #tpu.memory_space<hbm>>
        tpu.wait_indirect_dma semaphore(%arg12 : memref<!tpu.dma_semaphore, #tpu.memory_space<semaphore_mem>>) src(%dma_wait3A_193 : memref<10240x16xf32, #tpu.memory_space<hbm>>) dst(%arg8 : memref<128x16xf32, #tpu.memory_space<vmem>>)
        %add3A_194 = arith.constant 0 : i32
        %add3A_195 = vector.broadcast %add3A_194 : i32 to vector<16xi32>
        %add3A_196 = arith.addi %iota3A, %add3A_195 : vector<16xi32>
        %broadcast_in_dim3A_197 = arith.constant 128 : i32
        %broadcast_in_dim3A_198 = vector.broadcast %broadcast_in_dim3A_197 : i32 to vector<16xi32>
        %gather3A = tpu.vector_load_idx %arg7[%add3A_196, %broadcast_in_dim3A_198] : memref<128x144xf32, #tpu.memory_space<vmem>>[vector<16xi32>, vector<16xi32>], vector<16xf32>,
        %broadcast_in_dim3A_199 = arith.constant 0 : i32
        %broadcast_in_dim3A_200 = vector.broadcast %broadcast_in_dim3A_199 : i32 to vector<16xi32>
        %gather3A_201 = tpu.vector_load_idx %arg8[%add3A_196, %broadcast_in_dim3A_200] : memref<128x16xf32, #tpu.memory_space<vmem>>[vector<16xi32>, vector<16xi32>], vector<16xf32>,
        %add3A_202 = arith.addf %gather3A, %gather3A_201 : vector<16xf32>
        %ge3A = arith.constant 0.000000e+00 : f32
        %ge3A_203 = vector.broadcast %ge3A : f32 to vector<16xf32>
        %ge3A_204 = arith.cmpf oge, %add3A_202, %ge3A_203 : vector<16xf32>
        %mul3A_205 = arith.constant 2.000000e-01 : f32
        %mul3A_206 = vector.broadcast %mul3A_205 : f32 to vector<16xf32>
        %mul3A_207 = arith.mulf %mul3A_206, %add3A_202 : vector<16xf32>
        %select_n3A = arith.select %ge3A_204, %add3A_202, %mul3A_207 : vector<16xi1>, vector<16xf32>
        %exp3A = math.exp %select_n3A : vector<16xf32>
        tpu.vector_store_idx %arg7[%add3A_196, %broadcast_in_dim3A_198], %exp3A : memref<128x144xf32, #tpu.memory_space<vmem>>[vector<16xi32>, vector<16xi32>], vector<16xf32>,
        %broadcast_in_dim3A_208 = arith.constant 129 : i32
        %broadcast_in_dim3A_209 = vector.broadcast %broadcast_in_dim3A_208 : i32 to vector<16xi32>
        %gather3A_210 = tpu.vector_load_idx %arg7[%add3A_196, %broadcast_in_dim3A_209] : memref<128x144xf32, #tpu.memory_space<vmem>>[vector<16xi32>, vector<16xi32>], vector<16xf32>,
        %broadcast_in_dim3A_211 = arith.constant 1 : i32
        %broadcast_in_dim3A_212 = vector.broadcast %broadcast_in_dim3A_211 : i32 to vector<16xi32>
        %gather3A_213 = tpu.vector_load_idx %arg8[%add3A_196, %broadcast_in_dim3A_212] : memref<128x16xf32, #tpu.memory_space<vmem>>[vector<16xi32>, vector<16xi32>], vector<16xf32>,
        %add3A_214 = arith.addf %gather3A_210, %gather3A_213 : vector<16xf32>
        %ge3A_215 = arith.constant 0.000000e+00 : f32
        %ge3A_216 = vector.broadcast %ge3A_215 : f32 to vector<16xf32>
        %ge3A_217 = arith.cmpf oge, %add3A_214, %ge3A_216 : vector<16xf32>
        %mul3A_218 = arith.constant 2.000000e-01 : f32
        %mul3A_219 = vector.broadcast %mul3A_218 : f32 to vector<16xf32>
        %mul3A_220 = arith.mulf %mul3A_219, %add3A_214 : vector<16xf32>
        %select_n3A_221 = arith.select %ge3A_217, %add3A_214, %mul3A_220 : vector<16xi1>, vector<16xf32>
        %exp3A_222 = math.exp %select_n3A_221 : vector<16xf32>
        tpu.vector_store_idx %arg7[%add3A_196, %broadcast_in_dim3A_209], %exp3A_222 : memref<128x144xf32, #tpu.memory_space<vmem>>[vector<16xi32>, vector<16xi32>], vector<16xf32>,
        %broadcast_in_dim3A_223 = arith.constant 130 : i32
        %broadcast_in_dim3A_224 = vector.broadcast %broadcast_in_dim3A_223 : i32 to vector<16xi32>
        %gather3A_225 = tpu.vector_load_idx %arg7[%add3A_196, %broadcast_in_dim3A_224] : memref<128x144xf32, #tpu.memory_space<vmem>>[vector<16xi32>, vector<16xi32>], vector<16xf32>,
        %broadcast_in_dim3A_226 = arith.constant 2 : i32
        %broadcast_in_dim3A_227 = vector.broadcast %broadcast_in_dim3A_226 : i32 to vector<16xi32>
        %gather3A_228 = tpu.vector_load_idx %arg8[%add3A_196, %broadcast_in_dim3A_227] : memref<128x16xf32, #tpu.memory_space<vmem>>[vector<16xi32>, vector<16xi32>], vector<16xf32>,
        %add3A_229 = arith.addf %gather3A_225, %gather3A_228 : vector<16xf32>
        %ge3A_230 = arith.constant 0.000000e+00 : f32
        %ge3A_231 = vector.broadcast %ge3A_230 : f32 to vector<16xf32>
        %ge3A_232 = arith.cmpf oge, %add3A_229, %ge3A_231 : vector<16xf32>
        %mul3A_233 = arith.constant 2.000000e-01 : f32
        %mul3A_234 = vector.broadcast %mul3A_233 : f32 to vector<16xf32>
        %mul3A_235 = arith.mulf %mul3A_234, %add3A_229 : vector<16xf32>
        %select_n3A_236 = arith.select %ge3A_232, %add3A_229, %mul3A_235 : vector<16xi1>, vector<16xf32>
        %exp3A_237 = math.exp %select_n3A_236 : vector<16xf32>
        tpu.vector_store_idx %arg7[%add3A_196, %broadcast_in_dim3A_224], %exp3A_237 : memref<128x144xf32, #tpu.memory_space<vmem>>[vector<16xi32>, vector<16xi32>], vector<16xf32>,
        %broadcast_in_dim3A_238 = arith.constant 131 : i32
        %broadcast_in_dim3A_239 = vector.broadcast %broadcast_in_dim3A_238 : i32 to vector<16xi32>
        %gather3A_240 = tpu.vector_load_idx %arg7[%add3A_196, %broadcast_in_dim3A_239] : memref<128x144xf32, #tpu.memory_space<vmem>>[vector<16xi32>, vector<16xi32>], vector<16xf32>,
        %broadcast_in_dim3A_241 = arith.constant 3 : i32
        %broadcast_in_dim3A_242 = vector.broadcast %broadcast_in_dim3A_241 : i32 to vector<16xi32>
        %gather3A_243 = tpu.vector_load_idx %arg8[%add3A_196, %broadcast_in_dim3A_242] : memref<128x16xf32, #tpu.memory_space<vmem>>[vector<16xi32>, vector<16xi32>], vector<16xf32>,
        %add3A_244 = arith.addf %gather3A_240, %gather3A_243 : vector<16xf32>
        %ge3A_245 = arith.constant 0.000000e+00 : f32
        %ge3A_246 = vector.broadcast %ge3A_245 : f32 to vector<16xf32>
        %ge3A_247 = arith.cmpf oge, %add3A_244, %ge3A_246 : vector<16xf32>
        %mul3A_248 = arith.constant 2.000000e-01 : f32
        %mul3A_249 = vector.broadcast %mul3A_248 : f32 to vector<16xf32>
        %mul3A_250 = arith.mulf %mul3A_249, %add3A_244 : vector<16xf32>
        %select_n3A_251 = arith.select %ge3A_247, %add3A_244, %mul3A_250 : vector<16xi1>, vector<16xf32>
        %exp3A_252 = math.exp %select_n3A_251 : vector<16xf32>
        tpu.vector_store_idx %arg7[%add3A_196, %broadcast_in_dim3A_239], %exp3A_252 : memref<128x144xf32, #tpu.memory_space<vmem>>[vector<16xi32>, vector<16xi32>], vector<16xf32>,
        %add3A_253 = arith.constant 16 : i32
        %add3A_254 = vector.broadcast %add3A_253 : i32 to vector<16xi32>
        %add3A_255 = arith.addi %iota3A, %add3A_254 : vector<16xi32>
        %broadcast_in_dim3A_256 = arith.constant 128 : i32
        %broadcast_in_dim3A_257 = vector.broadcast %broadcast_in_dim3A_256 : i32 to vector<16xi32>
        %gather3A_258 = tpu.vector_load_idx %arg7[%add3A_255, %broadcast_in_dim3A_257] : memref<128x144xf32, #tpu.memory_space<vmem>>[vector<16xi32>, vector<16xi32>], vector<16xf32>,
        %broadcast_in_dim3A_259 = arith.constant 0 : i32
        %broadcast_in_dim3A_260 = vector.broadcast %broadcast_in_dim3A_259 : i32 to vector<16xi32>
        %gather3A_261 = tpu.vector_load_idx %arg8[%add3A_255, %broadcast_in_dim3A_260] : memref<128x16xf32, #tpu.memory_space<vmem>>[vector<16xi32>, vector<16xi32>], vector<16xf32>,
        %add3A_262 = arith.addf %gather3A_258, %gather3A_261 : vector<16xf32>
        %ge3A_263 = arith.constant 0.000000e+00 : f32
        %ge3A_264 = vector.broadcast %ge3A_263 : f32 to vector<16xf32>
        %ge3A_265 = arith.cmpf oge, %add3A_262, %ge3A_264 : vector<16xf32>
        %mul3A_266 = arith.constant 2.000000e-01 : f32
        %mul3A_267 = vector.broadcast %mul3A_266 : f32 to vector<16xf32>
        %mul3A_268 = arith.mulf %mul3A_267, %add3A_262 : vector<16xf32>
        %select_n3A_269 = arith.select %ge3A_265, %add3A_262, %mul3A_268 : vector<16xi1>, vector<16xf32>
        %exp3A_270 = math.exp %select_n3A_269 : vector<16xf32>
        tpu.vector_store_idx %arg7[%add3A_255, %broadcast_in_dim3A_257], %exp3A_270 : memref<128x144xf32, #tpu.memory_space<vmem>>[vector<16xi32>, vector<16xi32>], vector<16xf32>,
        %broadcast_in_dim3A_271 = arith.constant 129 : i32
        %broadcast_in_dim3A_272 = vector.broadcast %broadcast_in_dim3A_271 : i32 to vector<16xi32>
        %gather3A_273 = tpu.vector_load_idx %arg7[%add3A_255, %broadcast_in_dim3A_272] : memref<128x144xf32, #tpu.memory_space<vmem>>[vector<16xi32>, vector<16xi32>], vector<16xf32>,
        %broadcast_in_dim3A_274 = arith.constant 1 : i32
        %broadcast_in_dim3A_275 = vector.broadcast %broadcast_in_dim3A_274 : i32 to vector<16xi32>
        %gather3A_276 = tpu.vector_load_idx %arg8[%add3A_255, %broadcast_in_dim3A_275] : memref<128x16xf32, #tpu.memory_space<vmem>>[vector<16xi32>, vector<16xi32>], vector<16xf32>,
        %add3A_277 = arith.addf %gather3A_273, %gather3A_276 : vector<16xf32>
        %ge3A_278 = arith.constant 0.000000e+00 : f32
        %ge3A_279 = vector.broadcast %ge3A_278 : f32 to vector<16xf32>
        %ge3A_280 = arith.cmpf oge, %add3A_277, %ge3A_279 : vector<16xf32>
        %mul3A_281 = arith.constant 2.000000e-01 : f32
        %mul3A_282 = vector.broadcast %mul3A_281 : f32 to vector<16xf32>
        %mul3A_283 = arith.mulf %mul3A_282, %add3A_277 : vector<16xf32>
        %select_n3A_284 = arith.select %ge3A_280, %add3A_277, %mul3A_283 : vector<16xi1>, vector<16xf32>
        %exp3A_285 = math.exp %select_n3A_284 : vector<16xf32>
        tpu.vector_store_idx %arg7[%add3A_255, %broadcast_in_dim3A_272], %exp3A_285 : memref<128x144xf32, #tpu.memory_space<vmem>>[vector<16xi32>, vector<16xi32>], vector<16xf32>,
        %broadcast_in_dim3A_286 = arith.constant 130 : i32
        %broadcast_in_dim3A_287 = vector.broadcast %broadcast_in_dim3A_286 : i32 to vector<16xi32>
        %gather3A_288 = tpu.vector_load_idx %arg7[%add3A_255, %broadcast_in_dim3A_287] : memref<128x144xf32, #tpu.memory_space<vmem>>[vector<16xi32>, vector<16xi32>], vector<16xf32>,
        %broadcast_in_dim3A_289 = arith.constant 2 : i32
        %broadcast_in_dim3A_290 = vector.broadcast %broadcast_in_dim3A_289 : i32 to vector<16xi32>
        %gather3A_291 = tpu.vector_load_idx %arg8[%add3A_255, %broadcast_in_dim3A_290] : memref<128x16xf32, #tpu.memory_space<vmem>>[vector<16xi32>, vector<16xi32>], vector<16xf32>,
        %add3A_292 = arith.addf %gather3A_288, %gather3A_291 : vector<16xf32>
        %ge3A_293 = arith.constant 0.000000e+00 : f32
        %ge3A_294 = vector.broadcast %ge3A_293 : f32 to vector<16xf32>
        %ge3A_295 = arith.cmpf oge, %add3A_292, %ge3A_294 : vector<16xf32>
        %mul3A_296 = arith.constant 2.000000e-01 : f32
        %mul3A_297 = vector.broadcast %mul3A_296 : f32 to vector<16xf32>
        %mul3A_298 = arith.mulf %mul3A_297, %add3A_292 : vector<16xf32>
        %select_n3A_299 = arith.select %ge3A_295, %add3A_292, %mul3A_298 : vector<16xi1>, vector<16xf32>
        %exp3A_300 = math.exp %select_n3A_299 : vector<16xf32>
        tpu.vector_store_idx %arg7[%add3A_255, %broadcast_in_dim3A_287], %exp3A_300 : memref<128x144xf32, #tpu.memory_space<vmem>>[vector<16xi32>, vector<16xi32>], vector<16xf32>,
        %broadcast_in_dim3A_301 = arith.constant 131 : i32
        %broadcast_in_dim3A_302 = vector.broadcast %broadcast_in_dim3A_301 : i32 to vector<16xi32>
        %gather3A_303 = tpu.vector_load_idx %arg7[%add3A_255, %broadcast_in_dim3A_302] : memref<128x144xf32, #tpu.memory_space<vmem>>[vector<16xi32>, vector<16xi32>], vector<16xf32>,
        %broadcast_in_dim3A_304 = arith.constant 3 : i32
        %broadcast_in_dim3A_305 = vector.broadcast %broadcast_in_dim3A_304 : i32 to vector<16xi32>
        %gather3A_306 = tpu.vector_load_idx %arg8[%add3A_255, %broadcast_in_dim3A_305] : memref<128x16xf32, #tpu.memory_space<vmem>>[vector<16xi32>, vector<16xi32>], vector<16xf32>,
        %add3A_307 = arith.addf %gather3A_303, %gather3A_306 : vector<16xf32>
        %ge3A_308 = arith.constant 0.000000e+00 : f32
        %ge3A_309 = vector.broadcast %ge3A_308 : f32 to vector<16xf32>
        %ge3A_310 = arith.cmpf oge, %add3A_307, %ge3A_309 : vector<16xf32>
        %mul3A_311 = arith.constant 2.000000e-01 : f32
        %mul3A_312 = vector.broadcast %mul3A_311 : f32 to vector<16xf32>
        %mul3A_313 = arith.mulf %mul3A_312, %add3A_307 : vector<16xf32>
        %select_n3A_314 = arith.select %ge3A_310, %add3A_307, %mul3A_313 : vector<16xi1>, vector<16xf32>
        %exp3A_315 = math.exp %select_n3A_314 : vector<16xf32>
        tpu.vector_store_idx %arg7[%add3A_255, %broadcast_in_dim3A_302], %exp3A_315 : memref<128x144xf32, #tpu.memory_space<vmem>>[vector<16xi32>, vector<16xi32>], vector<16xf32>,
        %add3A_316 = arith.constant 32 : i32
        %add3A_317 = vector.broadcast %add3A_316 : i32 to vector<16xi32>
        %add3A_318 = arith.addi %iota3A, %add3A_317 : vector<16xi32>
        %broadcast_in_dim3A_319 = arith.constant 128 : i32
        %broadcast_in_dim3A_320 = vector.broadcast %broadcast_in_dim3A_319 : i32 to vector<16xi32>
        %gather3A_321 = tpu.vector_load_idx %arg7[%add3A_318, %broadcast_in_dim3A_320] : memref<128x144xf32, #tpu.memory_space<vmem>>[vector<16xi32>, vector<16xi32>], vector<16xf32>,
        %broadcast_in_dim3A_322 = arith.constant 0 : i32
        %broadcast_in_dim3A_323 = vector.broadcast %broadcast_in_dim3A_322 : i32 to vector<16xi32>
        %gather3A_324 = tpu.vector_load_idx %arg8[%add3A_318, %broadcast_in_dim3A_323] : memref<128x16xf32, #tpu.memory_space<vmem>>[vector<16xi32>, vector<16xi32>], vector<16xf32>,
        %add3A_325 = arith.addf %gather3A_321, %gather3A_324 : vector<16xf32>
        %ge3A_326 = arith.constant 0.000000e+00 : f32
        %ge3A_327 = vector.broadcast %ge3A_326 : f32 to vector<16xf32>
        %ge3A_328 = arith.cmpf oge, %add3A_325, %ge3A_327 : vector<16xf32>
        %mul3A_329 = arith.constant 2.000000e-01 : f32
        %mul3A_330 = vector.broadcast %mul3A_329 : f32 to vector<16xf32>
        %mul3A_331 = arith.mulf %mul3A_330, %add3A_325 : vector<16xf32>
        %select_n3A_332 = arith.select %ge3A_328, %add3A_325, %mul3A_331 : vector<16xi1>, vector<16xf32>
        %exp3A_333 = math.exp %select_n3A_332 : vector<16xf32>
        tpu.vector_store_idx %arg7[%add3A_318, %broadcast_in_dim3A_320], %exp3A_333 : memref<128x144xf32, #tpu.memory_space<vmem>>[vector<16xi32>, vector<16xi32>], vector<16xf32>,
        %broadcast_in_dim3A_334 = arith.constant 129 : i32
        %broadcast_in_dim3A_335 = vector.broadcast %broadcast_in_dim3A_334 : i32 to vector<16xi32>
        %gather3A_336 = tpu.vector_load_idx %arg7[%add3A_318, %broadcast_in_dim3A_335] : memref<128x144xf32, #tpu.memory_space<vmem>>[vector<16xi32>, vector<16xi32>], vector<16xf32>,
        %broadcast_in_dim3A_337 = arith.constant 1 : i32
        %broadcast_in_dim3A_338 = vector.broadcast %broadcast_in_dim3A_337 : i32 to vector<16xi32>
        %gather3A_339 = tpu.vector_load_idx %arg8[%add3A_318, %broadcast_in_dim3A_338] : memref<128x16xf32, #tpu.memory_space<vmem>>[vector<16xi32>, vector<16xi32>], vector<16xf32>,
        %add3A_340 = arith.addf %gather3A_336, %gather3A_339 : vector<16xf32>
        %ge3A_341 = arith.constant 0.000000e+00 : f32
        %ge3A_342 = vector.broadcast %ge3A_341 : f32 to vector<16xf32>
        %ge3A_343 = arith.cmpf oge, %add3A_340, %ge3A_342 : vector<16xf32>
        %mul3A_344 = arith.constant 2.000000e-01 : f32
        %mul3A_345 = vector.broadcast %mul3A_344 : f32 to vector<16xf32>
        %mul3A_346 = arith.mulf %mul3A_345, %add3A_340 : vector<16xf32>
        %select_n3A_347 = arith.select %ge3A_343, %add3A_340, %mul3A_346 : vector<16xi1>, vector<16xf32>
        %exp3A_348 = math.exp %select_n3A_347 : vector<16xf32>
        tpu.vector_store_idx %arg7[%add3A_318, %broadcast_in_dim3A_335], %exp3A_348 : memref<128x144xf32, #tpu.memory_space<vmem>>[vector<16xi32>, vector<16xi32>], vector<16xf32>,
        %broadcast_in_dim3A_349 = arith.constant 130 : i32
        %broadcast_in_dim3A_350 = vector.broadcast %broadcast_in_dim3A_349 : i32 to vector<16xi32>
        %gather3A_351 = tpu.vector_load_idx %arg7[%add3A_318, %broadcast_in_dim3A_350] : memref<128x144xf32, #tpu.memory_space<vmem>>[vector<16xi32>, vector<16xi32>], vector<16xf32>,
        %broadcast_in_dim3A_352 = arith.constant 2 : i32
        %broadcast_in_dim3A_353 = vector.broadcast %broadcast_in_dim3A_352 : i32 to vector<16xi32>
        %gather3A_354 = tpu.vector_load_idx %arg8[%add3A_318, %broadcast_in_dim3A_353] : memref<128x16xf32, #tpu.memory_space<vmem>>[vector<16xi32>, vector<16xi32>], vector<16xf32>,
        %add3A_355 = arith.addf %gather3A_351, %gather3A_354 : vector<16xf32>
        %ge3A_356 = arith.constant 0.000000e+00 : f32
        %ge3A_357 = vector.broadcast %ge3A_356 : f32 to vector<16xf32>
        %ge3A_358 = arith.cmpf oge, %add3A_355, %ge3A_357 : vector<16xf32>
        %mul3A_359 = arith.constant 2.000000e-01 : f32
        %mul3A_360 = vector.broadcast %mul3A_359 : f32 to vector<16xf32>
        %mul3A_361 = arith.mulf %mul3A_360, %add3A_355 : vector<16xf32>
        %select_n3A_362 = arith.select %ge3A_358, %add3A_355, %mul3A_361 : vector<16xi1>, vector<16xf32>
        %exp3A_363 = math.exp %select_n3A_362 : vector<16xf32>
        tpu.vector_store_idx %arg7[%add3A_318, %broadcast_in_dim3A_350], %exp3A_363 : memref<128x144xf32, #tpu.memory_space<vmem>>[vector<16xi32>, vector<16xi32>], vector<16xf32>,
        %broadcast_in_dim3A_364 = arith.constant 131 : i32
        %broadcast_in_dim3A_365 = vector.broadcast %broadcast_in_dim3A_364 : i32 to vector<16xi32>
        %gather3A_366 = tpu.vector_load_idx %arg7[%add3A_318, %broadcast_in_dim3A_365] : memref<128x144xf32, #tpu.memory_space<vmem>>[vector<16xi32>, vector<16xi32>], vector<16xf32>,
        %broadcast_in_dim3A_367 = arith.constant 3 : i32
        %broadcast_in_dim3A_368 = vector.broadcast %broadcast_in_dim3A_367 : i32 to vector<16xi32>
        %gather3A_369 = tpu.vector_load_idx %arg8[%add3A_318, %broadcast_in_dim3A_368] : memref<128x16xf32, #tpu.memory_space<vmem>>[vector<16xi32>, vector<16xi32>], vector<16xf32>,
        %add3A_370 = arith.addf %gather3A_366, %gather3A_369 : vector<16xf32>
        %ge3A_371 = arith.constant 0.000000e+00 : f32
        %ge3A_372 = vector.broadcast %ge3A_371 : f32 to vector<16xf32>
        %ge3A_373 = arith.cmpf oge, %add3A_370, %ge3A_372 : vector<16xf32>
        %mul3A_374 = arith.constant 2.000000e-01 : f32
        %mul3A_375 = vector.broadcast %mul3A_374 : f32 to vector<16xf32>
        %mul3A_376 = arith.mulf %mul3A_375, %add3A_370 : vector<16xf32>
        %select_n3A_377 = arith.select %ge3A_373, %add3A_370, %mul3A_376 : vector<16xi1>, vector<16xf32>
        %exp3A_378 = math.exp %select_n3A_377 : vector<16xf32>
        tpu.vector_store_idx %arg7[%add3A_318, %broadcast_in_dim3A_365], %exp3A_378 : memref<128x144xf32, #tpu.memory_space<vmem>>[vector<16xi32>, vector<16xi32>], vector<16xf32>,
        %add3A_379 = arith.constant 48 : i32
        %add3A_380 = vector.broadcast %add3A_379 : i32 to vector<16xi32>
        %add3A_381 = arith.addi %iota3A, %add3A_380 : vector<16xi32>
        %broadcast_in_dim3A_382 = arith.constant 128 : i32
        %broadcast_in_dim3A_383 = vector.broadcast %broadcast_in_dim3A_382 : i32 to vector<16xi32>
        %gather3A_384 = tpu.vector_load_idx %arg7[%add3A_381, %broadcast_in_dim3A_383] : memref<128x144xf32, #tpu.memory_space<vmem>>[vector<16xi32>, vector<16xi32>], vector<16xf32>,
        %broadcast_in_dim3A_385 = arith.constant 0 : i32
        %broadcast_in_dim3A_386 = vector.broadcast %broadcast_in_dim3A_385 : i32 to vector<16xi32>
        %gather3A_387 = tpu.vector_load_idx %arg8[%add3A_381, %broadcast_in_dim3A_386] : memref<128x16xf32, #tpu.memory_space<vmem>>[vector<16xi32>, vector<16xi32>], vector<16xf32>,
        %add3A_388 = arith.addf %gather3A_384, %gather3A_387 : vector<16xf32>
        %ge3A_389 = arith.constant 0.000000e+00 : f32
        %ge3A_390 = vector.broadcast %ge3A_389 : f32 to vector<16xf32>
        %ge3A_391 = arith.cmpf oge, %add3A_388, %ge3A_390 : vector<16xf32>
        %mul3A_392 = arith.constant 2.000000e-01 : f32
        %mul3A_393 = vector.broadcast %mul3A_392 : f32 to vector<16xf32>
        %mul3A_394 = arith.mulf %mul3A_393, %add3A_388 : vector<16xf32>
        %select_n3A_395 = arith.select %ge3A_391, %add3A_388, %mul3A_394 : vector<16xi1>, vector<16xf32>
        %exp3A_396 = math.exp %select_n3A_395 : vector<16xf32>
        tpu.vector_store_idx %arg7[%add3A_381, %broadcast_in_dim3A_383], %exp3A_396 : memref<128x144xf32, #tpu.memory_space<vmem>>[vector<16xi32>, vector<16xi32>], vector<16xf32>,
        %broadcast_in_dim3A_397 = arith.constant 129 : i32
        %broadcast_in_dim3A_398 = vector.broadcast %broadcast_in_dim3A_397 : i32 to vector<16xi32>
        %gather3A_399 = tpu.vector_load_idx %arg7[%add3A_381, %broadcast_in_dim3A_398] : memref<128x144xf32, #tpu.memory_space<vmem>>[vector<16xi32>, vector<16xi32>], vector<16xf32>,
        %broadcast_in_dim3A_400 = arith.constant 1 : i32
        %broadcast_in_dim3A_401 = vector.broadcast %broadcast_in_dim3A_400 : i32 to vector<16xi32>
        %gather3A_402 = tpu.vector_load_idx %arg8[%add3A_381, %broadcast_in_dim3A_401] : memref<128x16xf32, #tpu.memory_space<vmem>>[vector<16xi32>, vector<16xi32>], vector<16xf32>,
        %add3A_403 = arith.addf %gather3A_399, %gather3A_402 : vector<16xf32>
        %ge3A_404 = arith.constant 0.000000e+00 : f32
        %ge3A_405 = vector.broadcast %ge3A_404 : f32 to vector<16xf32>
        %ge3A_406 = arith.cmpf oge, %add3A_403, %ge3A_405 : vector<16xf32>
        %mul3A_407 = arith.constant 2.000000e-01 : f32
        %mul3A_408 = vector.broadcast %mul3A_407 : f32 to vector<16xf32>
        %mul3A_409 = arith.mulf %mul3A_408, %add3A_403 : vector<16xf32>
        %select_n3A_410 = arith.select %ge3A_406, %add3A_403, %mul3A_409 : vector<16xi1>, vector<16xf32>
        %exp3A_411 = math.exp %select_n3A_410 : vector<16xf32>
        tpu.vector_store_idx %arg7[%add3A_381, %broadcast_in_dim3A_398], %exp3A_411 : memref<128x144xf32, #tpu.memory_space<vmem>>[vector<16xi32>, vector<16xi32>], vector<16xf32>,
        %broadcast_in_dim3A_412 = arith.constant 130 : i32
        %broadcast_in_dim3A_413 = vector.broadcast %broadcast_in_dim3A_412 : i32 to vector<16xi32>
        %gather3A_414 = tpu.vector_load_idx %arg7[%add3A_381, %broadcast_in_dim3A_413] : memref<128x144xf32, #tpu.memory_space<vmem>>[vector<16xi32>, vector<16xi32>], vector<16xf32>,
        %broadcast_in_dim3A_415 = arith.constant 2 : i32
        %broadcast_in_dim3A_416 = vector.broadcast %broadcast_in_dim3A_415 : i32 to vector<16xi32>
        %gather3A_417 = tpu.vector_load_idx %arg8[%add3A_381, %broadcast_in_dim3A_416] : memref<128x16xf32, #tpu.memory_space<vmem>>[vector<16xi32>, vector<16xi32>], vector<16xf32>,
        %add3A_418 = arith.addf %gather3A_414, %gather3A_417 : vector<16xf32>
        %ge3A_419 = arith.constant 0.000000e+00 : f32
        %ge3A_420 = vector.broadcast %ge3A_419 : f32 to vector<16xf32>
        %ge3A_421 = arith.cmpf oge, %add3A_418, %ge3A_420 : vector<16xf32>
        %mul3A_422 = arith.constant 2.000000e-01 : f32
        %mul3A_423 = vector.broadcast %mul3A_422 : f32 to vector<16xf32>
        %mul3A_424 = arith.mulf %mul3A_423, %add3A_418 : vector<16xf32>
        %select_n3A_425 = arith.select %ge3A_421, %add3A_418, %mul3A_424 : vector<16xi1>, vector<16xf32>
        %exp3A_426 = math.exp %select_n3A_425 : vector<16xf32>
        tpu.vector_store_idx %arg7[%add3A_381, %broadcast_in_dim3A_413], %exp3A_426 : memref<128x144xf32, #tpu.memory_space<vmem>>[vector<16xi32>, vector<16xi32>], vector<16xf32>,
        %broadcast_in_dim3A_427 = arith.constant 131 : i32
        %broadcast_in_dim3A_428 = vector.broadcast %broadcast_in_dim3A_427 : i32 to vector<16xi32>
        %gather3A_429 = tpu.vector_load_idx %arg7[%add3A_381, %broadcast_in_dim3A_428] : memref<128x144xf32, #tpu.memory_space<vmem>>[vector<16xi32>, vector<16xi32>], vector<16xf32>,
        %broadcast_in_dim3A_430 = arith.constant 3 : i32
        %broadcast_in_dim3A_431 = vector.broadcast %broadcast_in_dim3A_430 : i32 to vector<16xi32>
        %gather3A_432 = tpu.vector_load_idx %arg8[%add3A_381, %broadcast_in_dim3A_431] : memref<128x16xf32, #tpu.memory_space<vmem>>[vector<16xi32>, vector<16xi32>], vector<16xf32>,
        %add3A_433 = arith.addf %gather3A_429, %gather3A_432 : vector<16xf32>
        %ge3A_434 = arith.constant 0.000000e+00 : f32
        %ge3A_435 = vector.broadcast %ge3A_434 : f32 to vector<16xf32>
        %ge3A_436 = arith.cmpf oge, %add3A_433, %ge3A_435 : vector<16xf32>
        %mul3A_437 = arith.constant 2.000000e-01 : f32
        %mul3A_438 = vector.broadcast %mul3A_437 : f32 to vector<16xf32>
        %mul3A_439 = arith.mulf %mul3A_438, %add3A_433 : vector<16xf32>
        %select_n3A_440 = arith.select %ge3A_436, %add3A_433, %mul3A_439 : vector<16xi1>, vector<16xf32>
        %exp3A_441 = math.exp %select_n3A_440 : vector<16xf32>
        tpu.vector_store_idx %arg7[%add3A_381, %broadcast_in_dim3A_428], %exp3A_441 : memref<128x144xf32, #tpu.memory_space<vmem>>[vector<16xi32>, vector<16xi32>], vector<16xf32>,
        %add3A_442 = arith.constant 64 : i32
        %add3A_443 = vector.broadcast %add3A_442 : i32 to vector<16xi32>
        %add3A_444 = arith.addi %iota3A, %add3A_443 : vector<16xi32>
        %broadcast_in_dim3A_445 = arith.constant 128 : i32
        %broadcast_in_dim3A_446 = vector.broadcast %broadcast_in_dim3A_445 : i32 to vector<16xi32>
        %gather3A_447 = tpu.vector_load_idx %arg7[%add3A_444, %broadcast_in_dim3A_446] : memref<128x144xf32, #tpu.memory_space<vmem>>[vector<16xi32>, vector<16xi32>], vector<16xf32>,
        %broadcast_in_dim3A_448 = arith.constant 0 : i32
        %broadcast_in_dim3A_449 = vector.broadcast %broadcast_in_dim3A_448 : i32 to vector<16xi32>
        %gather3A_450 = tpu.vector_load_idx %arg8[%add3A_444, %broadcast_in_dim3A_449] : memref<128x16xf32, #tpu.memory_space<vmem>>[vector<16xi32>, vector<16xi32>], vector<16xf32>,
        %add3A_451 = arith.addf %gather3A_447, %gather3A_450 : vector<16xf32>
        %ge3A_452 = arith.constant 0.000000e+00 : f32
        %ge3A_453 = vector.broadcast %ge3A_452 : f32 to vector<16xf32>
        %ge3A_454 = arith.cmpf oge, %add3A_451, %ge3A_453 : vector<16xf32>
        %mul3A_455 = arith.constant 2.000000e-01 : f32
        %mul3A_456 = vector.broadcast %mul3A_455 : f32 to vector<16xf32>
        %mul3A_457 = arith.mulf %mul3A_456, %add3A_451 : vector<16xf32>
        %select_n3A_458 = arith.select %ge3A_454, %add3A_451, %mul3A_457 : vector<16xi1>, vector<16xf32>
        %exp3A_459 = math.exp %select_n3A_458 : vector<16xf32>
        tpu.vector_store_idx %arg7[%add3A_444, %broadcast_in_dim3A_446], %exp3A_459 : memref<128x144xf32, #tpu.memory_space<vmem>>[vector<16xi32>, vector<16xi32>], vector<16xf32>,
        %broadcast_in_dim3A_460 = arith.constant 129 : i32
        %broadcast_in_dim3A_461 = vector.broadcast %broadcast_in_dim3A_460 : i32 to vector<16xi32>
        %gather3A_462 = tpu.vector_load_idx %arg7[%add3A_444, %broadcast_in_dim3A_461] : memref<128x144xf32, #tpu.memory_space<vmem>>[vector<16xi32>, vector<16xi32>], vector<16xf32>,
        %broadcast_in_dim3A_463 = arith.constant 1 : i32
        %broadcast_in_dim3A_464 = vector.broadcast %broadcast_in_dim3A_463 : i32 to vector<16xi32>
        %gather3A_465 = tpu.vector_load_idx %arg8[%add3A_444, %broadcast_in_dim3A_464] : memref<128x16xf32, #tpu.memory_space<vmem>>[vector<16xi32>, vector<16xi32>], vector<16xf32>,
        %add3A_466 = arith.addf %gather3A_462, %gather3A_465 : vector<16xf32>
        %ge3A_467 = arith.constant 0.000000e+00 : f32
        %ge3A_468 = vector.broadcast %ge3A_467 : f32 to vector<16xf32>
        %ge3A_469 = arith.cmpf oge, %add3A_466, %ge3A_468 : vector<16xf32>
        %mul3A_470 = arith.constant 2.000000e-01 : f32
        %mul3A_471 = vector.broadcast %mul3A_470 : f32 to vector<16xf32>
        %mul3A_472 = arith.mulf %mul3A_471, %add3A_466 : vector<16xf32>
        %select_n3A_473 = arith.select %ge3A_469, %add3A_466, %mul3A_472 : vector<16xi1>, vector<16xf32>
        %exp3A_474 = math.exp %select_n3A_473 : vector<16xf32>
        tpu.vector_store_idx %arg7[%add3A_444, %broadcast_in_dim3A_461], %exp3A_474 : memref<128x144xf32, #tpu.memory_space<vmem>>[vector<16xi32>, vector<16xi32>], vector<16xf32>,
        %broadcast_in_dim3A_475 = arith.constant 130 : i32
        %broadcast_in_dim3A_476 = vector.broadcast %broadcast_in_dim3A_475 : i32 to vector<16xi32>
        %gather3A_477 = tpu.vector_load_idx %arg7[%add3A_444, %broadcast_in_dim3A_476] : memref<128x144xf32, #tpu.memory_space<vmem>>[vector<16xi32>, vector<16xi32>], vector<16xf32>,
        %broadcast_in_dim3A_478 = arith.constant 2 : i32
        %broadcast_in_dim3A_479 = vector.broadcast %broadcast_in_dim3A_478 : i32 to vector<16xi32>
        %gather3A_480 = tpu.vector_load_idx %arg8[%add3A_444, %broadcast_in_dim3A_479] : memref<128x16xf32, #tpu.memory_space<vmem>>[vector<16xi32>, vector<16xi32>], vector<16xf32>,
        %add3A_481 = arith.addf %gather3A_477, %gather3A_480 : vector<16xf32>
        %ge3A_482 = arith.constant 0.000000e+00 : f32
        %ge3A_483 = vector.broadcast %ge3A_482 : f32 to vector<16xf32>
        %ge3A_484 = arith.cmpf oge, %add3A_481, %ge3A_483 : vector<16xf32>
        %mul3A_485 = arith.constant 2.000000e-01 : f32
        %mul3A_486 = vector.broadcast %mul3A_485 : f32 to vector<16xf32>
        %mul3A_487 = arith.mulf %mul3A_486, %add3A_481 : vector<16xf32>
        %select_n3A_488 = arith.select %ge3A_484, %add3A_481, %mul3A_487 : vector<16xi1>, vector<16xf32>
        %exp3A_489 = math.exp %select_n3A_488 : vector<16xf32>
        tpu.vector_store_idx %arg7[%add3A_444, %broadcast_in_dim3A_476], %exp3A_489 : memref<128x144xf32, #tpu.memory_space<vmem>>[vector<16xi32>, vector<16xi32>], vector<16xf32>,
        %broadcast_in_dim3A_490 = arith.constant 131 : i32
        %broadcast_in_dim3A_491 = vector.broadcast %broadcast_in_dim3A_490 : i32 to vector<16xi32>
        %gather3A_492 = tpu.vector_load_idx %arg7[%add3A_444, %broadcast_in_dim3A_491] : memref<128x144xf32, #tpu.memory_space<vmem>>[vector<16xi32>, vector<16xi32>], vector<16xf32>,
        %broadcast_in_dim3A_493 = arith.constant 3 : i32
        %broadcast_in_dim3A_494 = vector.broadcast %broadcast_in_dim3A_493 : i32 to vector<16xi32>
        %gather3A_495 = tpu.vector_load_idx %arg8[%add3A_444, %broadcast_in_dim3A_494] : memref<128x16xf32, #tpu.memory_space<vmem>>[vector<16xi32>, vector<16xi32>], vector<16xf32>,
        %add3A_496 = arith.addf %gather3A_492, %gather3A_495 : vector<16xf32>
        %ge3A_497 = arith.constant 0.000000e+00 : f32
        %ge3A_498 = vector.broadcast %ge3A_497 : f32 to vector<16xf32>
        %ge3A_499 = arith.cmpf oge, %add3A_496, %ge3A_498 : vector<16xf32>
        %mul3A_500 = arith.constant 2.000000e-01 : f32
        %mul3A_501 = vector.broadcast %mul3A_500 : f32 to vector<16xf32>
        %mul3A_502 = arith.mulf %mul3A_501, %add3A_496 : vector<16xf32>
        %select_n3A_503 = arith.select %ge3A_499, %add3A_496, %mul3A_502 : vector<16xi1>, vector<16xf32>
        %exp3A_504 = math.exp %select_n3A_503 : vector<16xf32>
        tpu.vector_store_idx %arg7[%add3A_444, %broadcast_in_dim3A_491], %exp3A_504 : memref<128x144xf32, #tpu.memory_space<vmem>>[vector<16xi32>, vector<16xi32>], vector<16xf32>,
        %add3A_505 = arith.constant 80 : i32
        %add3A_506 = vector.broadcast %add3A_505 : i32 to vector<16xi32>
        %add3A_507 = arith.addi %iota3A, %add3A_506 : vector<16xi32>
        %broadcast_in_dim3A_508 = arith.constant 128 : i32
        %broadcast_in_dim3A_509 = vector.broadcast %broadcast_in_dim3A_508 : i32 to vector<16xi32>
        %gather3A_510 = tpu.vector_load_idx %arg7[%add3A_507, %broadcast_in_dim3A_509] : memref<128x144xf32, #tpu.memory_space<vmem>>[vector<16xi32>, vector<16xi32>], vector<16xf32>,
        %broadcast_in_dim3A_511 = arith.constant 0 : i32
        %broadcast_in_dim3A_512 = vector.broadcast %broadcast_in_dim3A_511 : i32 to vector<16xi32>
        %gather3A_513 = tpu.vector_load_idx %arg8[%add3A_507, %broadcast_in_dim3A_512] : memref<128x16xf32, #tpu.memory_space<vmem>>[vector<16xi32>, vector<16xi32>], vector<16xf32>,
        %add3A_514 = arith.addf %gather3A_510, %gather3A_513 : vector<16xf32>
        %ge3A_515 = arith.constant 0.000000e+00 : f32
        %ge3A_516 = vector.broadcast %ge3A_515 : f32 to vector<16xf32>
        %ge3A_517 = arith.cmpf oge, %add3A_514, %ge3A_516 : vector<16xf32>
        %mul3A_518 = arith.constant 2.000000e-01 : f32
        %mul3A_519 = vector.broadcast %mul3A_518 : f32 to vector<16xf32>
        %mul3A_520 = arith.mulf %mul3A_519, %add3A_514 : vector<16xf32>
        %select_n3A_521 = arith.select %ge3A_517, %add3A_514, %mul3A_520 : vector<16xi1>, vector<16xf32>
        %exp3A_522 = math.exp %select_n3A_521 : vector<16xf32>
        tpu.vector_store_idx %arg7[%add3A_507, %broadcast_in_dim3A_509], %exp3A_522 : memref<128x144xf32, #tpu.memory_space<vmem>>[vector<16xi32>, vector<16xi32>], vector<16xf32>,
        %broadcast_in_dim3A_523 = arith.constant 129 : i32
        %broadcast_in_dim3A_524 = vector.broadcast %broadcast_in_dim3A_523 : i32 to vector<16xi32>
        %gather3A_525 = tpu.vector_load_idx %arg7[%add3A_507, %broadcast_in_dim3A_524] : memref<128x144xf32, #tpu.memory_space<vmem>>[vector<16xi32>, vector<16xi32>], vector<16xf32>,
        %broadcast_in_dim3A_526 = arith.constant 1 : i32
        %broadcast_in_dim3A_527 = vector.broadcast %broadcast_in_dim3A_526 : i32 to vector<16xi32>
        %gather3A_528 = tpu.vector_load_idx %arg8[%add3A_507, %broadcast_in_dim3A_527] : memref<128x16xf32, #tpu.memory_space<vmem>>[vector<16xi32>, vector<16xi32>], vector<16xf32>,
        %add3A_529 = arith.addf %gather3A_525, %gather3A_528 : vector<16xf32>
        %ge3A_530 = arith.constant 0.000000e+00 : f32
        %ge3A_531 = vector.broadcast %ge3A_530 : f32 to vector<16xf32>
        %ge3A_532 = arith.cmpf oge, %add3A_529, %ge3A_531 : vector<16xf32>
        %mul3A_533 = arith.constant 2.000000e-01 : f32
        %mul3A_534 = vector.broadcast %mul3A_533 : f32 to vector<16xf32>
        %mul3A_535 = arith.mulf %mul3A_534, %add3A_529 : vector<16xf32>
        %select_n3A_536 = arith.select %ge3A_532, %add3A_529, %mul3A_535 : vector<16xi1>, vector<16xf32>
        %exp3A_537 = math.exp %select_n3A_536 : vector<16xf32>
        tpu.vector_store_idx %arg7[%add3A_507, %broadcast_in_dim3A_524], %exp3A_537 : memref<128x144xf32, #tpu.memory_space<vmem>>[vector<16xi32>, vector<16xi32>], vector<16xf32>,
        %broadcast_in_dim3A_538 = arith.constant 130 : i32
        %broadcast_in_dim3A_539 = vector.broadcast %broadcast_in_dim3A_538 : i32 to vector<16xi32>
        %gather3A_540 = tpu.vector_load_idx %arg7[%add3A_507, %broadcast_in_dim3A_539] : memref<128x144xf32, #tpu.memory_space<vmem>>[vector<16xi32>, vector<16xi32>], vector<16xf32>,
        %broadcast_in_dim3A_541 = arith.constant 2 : i32
        %broadcast_in_dim3A_542 = vector.broadcast %broadcast_in_dim3A_541 : i32 to vector<16xi32>
        %gather3A_543 = tpu.vector_load_idx %arg8[%add3A_507, %broadcast_in_dim3A_542] : memref<128x16xf32, #tpu.memory_space<vmem>>[vector<16xi32>, vector<16xi32>], vector<16xf32>,
        %add3A_544 = arith.addf %gather3A_540, %gather3A_543 : vector<16xf32>
        %ge3A_545 = arith.constant 0.000000e+00 : f32
        %ge3A_546 = vector.broadcast %ge3A_545 : f32 to vector<16xf32>
        %ge3A_547 = arith.cmpf oge, %add3A_544, %ge3A_546 : vector<16xf32>
        %mul3A_548 = arith.constant 2.000000e-01 : f32
        %mul3A_549 = vector.broadcast %mul3A_548 : f32 to vector<16xf32>
        %mul3A_550 = arith.mulf %mul3A_549, %add3A_544 : vector<16xf32>
        %select_n3A_551 = arith.select %ge3A_547, %add3A_544, %mul3A_550 : vector<16xi1>, vector<16xf32>
        %exp3A_552 = math.exp %select_n3A_551 : vector<16xf32>
        tpu.vector_store_idx %arg7[%add3A_507, %broadcast_in_dim3A_539], %exp3A_552 : memref<128x144xf32, #tpu.memory_space<vmem>>[vector<16xi32>, vector<16xi32>], vector<16xf32>,
        %broadcast_in_dim3A_553 = arith.constant 131 : i32
        %broadcast_in_dim3A_554 = vector.broadcast %broadcast_in_dim3A_553 : i32 to vector<16xi32>
        %gather3A_555 = tpu.vector_load_idx %arg7[%add3A_507, %broadcast_in_dim3A_554] : memref<128x144xf32, #tpu.memory_space<vmem>>[vector<16xi32>, vector<16xi32>], vector<16xf32>,
        %broadcast_in_dim3A_556 = arith.constant 3 : i32
        %broadcast_in_dim3A_557 = vector.broadcast %broadcast_in_dim3A_556 : i32 to vector<16xi32>
        %gather3A_558 = tpu.vector_load_idx %arg8[%add3A_507, %broadcast_in_dim3A_557] : memref<128x16xf32, #tpu.memory_space<vmem>>[vector<16xi32>, vector<16xi32>], vector<16xf32>,
        %add3A_559 = arith.addf %gather3A_555, %gather3A_558 : vector<16xf32>
        %ge3A_560 = arith.constant 0.000000e+00 : f32
        %ge3A_561 = vector.broadcast %ge3A_560 : f32 to vector<16xf32>
        %ge3A_562 = arith.cmpf oge, %add3A_559, %ge3A_561 : vector<16xf32>
        %mul3A_563 = arith.constant 2.000000e-01 : f32
        %mul3A_564 = vector.broadcast %mul3A_563 : f32 to vector<16xf32>
        %mul3A_565 = arith.mulf %mul3A_564, %add3A_559 : vector<16xf32>
        %select_n3A_566 = arith.select %ge3A_562, %add3A_559, %mul3A_565 : vector<16xi1>, vector<16xf32>
        %exp3A_567 = math.exp %select_n3A_566 : vector<16xf32>
        tpu.vector_store_idx %arg7[%add3A_507, %broadcast_in_dim3A_554], %exp3A_567 : memref<128x144xf32, #tpu.memory_space<vmem>>[vector<16xi32>, vector<16xi32>], vector<16xf32>,
        %add3A_568 = arith.constant 96 : i32
        %add3A_569 = vector.broadcast %add3A_568 : i32 to vector<16xi32>
        %add3A_570 = arith.addi %iota3A, %add3A_569 : vector<16xi32>
        %broadcast_in_dim3A_571 = arith.constant 128 : i32
        %broadcast_in_dim3A_572 = vector.broadcast %broadcast_in_dim3A_571 : i32 to vector<16xi32>
        %gather3A_573 = tpu.vector_load_idx %arg7[%add3A_570, %broadcast_in_dim3A_572] : memref<128x144xf32, #tpu.memory_space<vmem>>[vector<16xi32>, vector<16xi32>], vector<16xf32>,
        %broadcast_in_dim3A_574 = arith.constant 0 : i32
        %broadcast_in_dim3A_575 = vector.broadcast %broadcast_in_dim3A_574 : i32 to vector<16xi32>
        %gather3A_576 = tpu.vector_load_idx %arg8[%add3A_570, %broadcast_in_dim3A_575] : memref<128x16xf32, #tpu.memory_space<vmem>>[vector<16xi32>, vector<16xi32>], vector<16xf32>,
        %add3A_577 = arith.addf %gather3A_573, %gather3A_576 : vector<16xf32>
        %ge3A_578 = arith.constant 0.000000e+00 : f32
        %ge3A_579 = vector.broadcast %ge3A_578 : f32 to vector<16xf32>
        %ge3A_580 = arith.cmpf oge, %add3A_577, %ge3A_579 : vector<16xf32>
        %mul3A_581 = arith.constant 2.000000e-01 : f32
        %mul3A_582 = vector.broadcast %mul3A_581 : f32 to vector<16xf32>
        %mul3A_583 = arith.mulf %mul3A_582, %add3A_577 : vector<16xf32>
        %select_n3A_584 = arith.select %ge3A_580, %add3A_577, %mul3A_583 : vector<16xi1>, vector<16xf32>
        %exp3A_585 = math.exp %select_n3A_584 : vector<16xf32>
        tpu.vector_store_idx %arg7[%add3A_570, %broadcast_in_dim3A_572], %exp3A_585 : memref<128x144xf32, #tpu.memory_space<vmem>>[vector<16xi32>, vector<16xi32>], vector<16xf32>,
        %broadcast_in_dim3A_586 = arith.constant 129 : i32
        %broadcast_in_dim3A_587 = vector.broadcast %broadcast_in_dim3A_586 : i32 to vector<16xi32>
        %gather3A_588 = tpu.vector_load_idx %arg7[%add3A_570, %broadcast_in_dim3A_587] : memref<128x144xf32, #tpu.memory_space<vmem>>[vector<16xi32>, vector<16xi32>], vector<16xf32>,
        %broadcast_in_dim3A_589 = arith.constant 1 : i32
        %broadcast_in_dim3A_590 = vector.broadcast %broadcast_in_dim3A_589 : i32 to vector<16xi32>
        %gather3A_591 = tpu.vector_load_idx %arg8[%add3A_570, %broadcast_in_dim3A_590] : memref<128x16xf32, #tpu.memory_space<vmem>>[vector<16xi32>, vector<16xi32>], vector<16xf32>,
        %add3A_592 = arith.addf %gather3A_588, %gather3A_591 : vector<16xf32>
        %ge3A_593 = arith.constant 0.000000e+00 : f32
        %ge3A_594 = vector.broadcast %ge3A_593 : f32 to vector<16xf32>
        %ge3A_595 = arith.cmpf oge, %add3A_592, %ge3A_594 : vector<16xf32>
        %mul3A_596 = arith.constant 2.000000e-01 : f32
        %mul3A_597 = vector.broadcast %mul3A_596 : f32 to vector<16xf32>
        %mul3A_598 = arith.mulf %mul3A_597, %add3A_592 : vector<16xf32>
        %select_n3A_599 = arith.select %ge3A_595, %add3A_592, %mul3A_598 : vector<16xi1>, vector<16xf32>
        %exp3A_600 = math.exp %select_n3A_599 : vector<16xf32>
        tpu.vector_store_idx %arg7[%add3A_570, %broadcast_in_dim3A_587], %exp3A_600 : memref<128x144xf32, #tpu.memory_space<vmem>>[vector<16xi32>, vector<16xi32>], vector<16xf32>,
        %broadcast_in_dim3A_601 = arith.constant 130 : i32
        %broadcast_in_dim3A_602 = vector.broadcast %broadcast_in_dim3A_601 : i32 to vector<16xi32>
        %gather3A_603 = tpu.vector_load_idx %arg7[%add3A_570, %broadcast_in_dim3A_602] : memref<128x144xf32, #tpu.memory_space<vmem>>[vector<16xi32>, vector<16xi32>], vector<16xf32>,
        %broadcast_in_dim3A_604 = arith.constant 2 : i32
        %broadcast_in_dim3A_605 = vector.broadcast %broadcast_in_dim3A_604 : i32 to vector<16xi32>
        %gather3A_606 = tpu.vector_load_idx %arg8[%add3A_570, %broadcast_in_dim3A_605] : memref<128x16xf32, #tpu.memory_space<vmem>>[vector<16xi32>, vector<16xi32>], vector<16xf32>,
        %add3A_607 = arith.addf %gather3A_603, %gather3A_606 : vector<16xf32>
        %ge3A_608 = arith.constant 0.000000e+00 : f32
        %ge3A_609 = vector.broadcast %ge3A_608 : f32 to vector<16xf32>
        %ge3A_610 = arith.cmpf oge, %add3A_607, %ge3A_609 : vector<16xf32>
        %mul3A_611 = arith.constant 2.000000e-01 : f32
        %mul3A_612 = vector.broadcast %mul3A_611 : f32 to vector<16xf32>
        %mul3A_613 = arith.mulf %mul3A_612, %add3A_607 : vector<16xf32>
        %select_n3A_614 = arith.select %ge3A_610, %add3A_607, %mul3A_613 : vector<16xi1>, vector<16xf32>
        %exp3A_615 = math.exp %select_n3A_614 : vector<16xf32>
        tpu.vector_store_idx %arg7[%add3A_570, %broadcast_in_dim3A_602], %exp3A_615 : memref<128x144xf32, #tpu.memory_space<vmem>>[vector<16xi32>, vector<16xi32>], vector<16xf32>,
        %broadcast_in_dim3A_616 = arith.constant 131 : i32
        %broadcast_in_dim3A_617 = vector.broadcast %broadcast_in_dim3A_616 : i32 to vector<16xi32>
        %gather3A_618 = tpu.vector_load_idx %arg7[%add3A_570, %broadcast_in_dim3A_617] : memref<128x144xf32, #tpu.memory_space<vmem>>[vector<16xi32>, vector<16xi32>], vector<16xf32>,
        %broadcast_in_dim3A_619 = arith.constant 3 : i32
        %broadcast_in_dim3A_620 = vector.broadcast %broadcast_in_dim3A_619 : i32 to vector<16xi32>
        %gather3A_621 = tpu.vector_load_idx %arg8[%add3A_570, %broadcast_in_dim3A_620] : memref<128x16xf32, #tpu.memory_space<vmem>>[vector<16xi32>, vector<16xi32>], vector<16xf32>,
        %add3A_622 = arith.addf %gather3A_618, %gather3A_621 : vector<16xf32>
        %ge3A_623 = arith.constant 0.000000e+00 : f32
        %ge3A_624 = vector.broadcast %ge3A_623 : f32 to vector<16xf32>
        %ge3A_625 = arith.cmpf oge, %add3A_622, %ge3A_624 : vector<16xf32>
        %mul3A_626 = arith.constant 2.000000e-01 : f32
        %mul3A_627 = vector.broadcast %mul3A_626 : f32 to vector<16xf32>
        %mul3A_628 = arith.mulf %mul3A_627, %add3A_622 : vector<16xf32>
        %select_n3A_629 = arith.select %ge3A_625, %add3A_622, %mul3A_628 : vector<16xi1>, vector<16xf32>
        %exp3A_630 = math.exp %select_n3A_629 : vector<16xf32>
        tpu.vector_store_idx %arg7[%add3A_570, %broadcast_in_dim3A_617], %exp3A_630 : memref<128x144xf32, #tpu.memory_space<vmem>>[vector<16xi32>, vector<16xi32>], vector<16xf32>,
        %add3A_631 = arith.constant 112 : i32
        %add3A_632 = vector.broadcast %add3A_631 : i32 to vector<16xi32>
        %add3A_633 = arith.addi %iota3A, %add3A_632 : vector<16xi32>
        %broadcast_in_dim3A_634 = arith.constant 128 : i32
        %broadcast_in_dim3A_635 = vector.broadcast %broadcast_in_dim3A_634 : i32 to vector<16xi32>
        %gather3A_636 = tpu.vector_load_idx %arg7[%add3A_633, %broadcast_in_dim3A_635] : memref<128x144xf32, #tpu.memory_space<vmem>>[vector<16xi32>, vector<16xi32>], vector<16xf32>,
        %broadcast_in_dim3A_637 = arith.constant 0 : i32
        %broadcast_in_dim3A_638 = vector.broadcast %broadcast_in_dim3A_637 : i32 to vector<16xi32>
        %gather3A_639 = tpu.vector_load_idx %arg8[%add3A_633, %broadcast_in_dim3A_638] : memref<128x16xf32, #tpu.memory_space<vmem>>[vector<16xi32>, vector<16xi32>], vector<16xf32>,
        %add3A_640 = arith.addf %gather3A_636, %gather3A_639 : vector<16xf32>
        %ge3A_641 = arith.constant 0.000000e+00 : f32
        %ge3A_642 = vector.broadcast %ge3A_641 : f32 to vector<16xf32>
        %ge3A_643 = arith.cmpf oge, %add3A_640, %ge3A_642 : vector<16xf32>
        %mul3A_644 = arith.constant 2.000000e-01 : f32
        %mul3A_645 = vector.broadcast %mul3A_644 : f32 to vector<16xf32>
        %mul3A_646 = arith.mulf %mul3A_645, %add3A_640 : vector<16xf32>
        %select_n3A_647 = arith.select %ge3A_643, %add3A_640, %mul3A_646 : vector<16xi1>, vector<16xf32>
        %exp3A_648 = math.exp %select_n3A_647 : vector<16xf32>
        tpu.vector_store_idx %arg7[%add3A_633, %broadcast_in_dim3A_635], %exp3A_648 : memref<128x144xf32, #tpu.memory_space<vmem>>[vector<16xi32>, vector<16xi32>], vector<16xf32>,
        %broadcast_in_dim3A_649 = arith.constant 129 : i32
        %broadcast_in_dim3A_650 = vector.broadcast %broadcast_in_dim3A_649 : i32 to vector<16xi32>
        %gather3A_651 = tpu.vector_load_idx %arg7[%add3A_633, %broadcast_in_dim3A_650] : memref<128x144xf32, #tpu.memory_space<vmem>>[vector<16xi32>, vector<16xi32>], vector<16xf32>,
        %broadcast_in_dim3A_652 = arith.constant 1 : i32
        %broadcast_in_dim3A_653 = vector.broadcast %broadcast_in_dim3A_652 : i32 to vector<16xi32>
        %gather3A_654 = tpu.vector_load_idx %arg8[%add3A_633, %broadcast_in_dim3A_653] : memref<128x16xf32, #tpu.memory_space<vmem>>[vector<16xi32>, vector<16xi32>], vector<16xf32>,
        %add3A_655 = arith.addf %gather3A_651, %gather3A_654 : vector<16xf32>
        %ge3A_656 = arith.constant 0.000000e+00 : f32
        %ge3A_657 = vector.broadcast %ge3A_656 : f32 to vector<16xf32>
        %ge3A_658 = arith.cmpf oge, %add3A_655, %ge3A_657 : vector<16xf32>
        %mul3A_659 = arith.constant 2.000000e-01 : f32
        %mul3A_660 = vector.broadcast %mul3A_659 : f32 to vector<16xf32>
        %mul3A_661 = arith.mulf %mul3A_660, %add3A_655 : vector<16xf32>
        %select_n3A_662 = arith.select %ge3A_658, %add3A_655, %mul3A_661 : vector<16xi1>, vector<16xf32>
        %exp3A_663 = math.exp %select_n3A_662 : vector<16xf32>
        tpu.vector_store_idx %arg7[%add3A_633, %broadcast_in_dim3A_650], %exp3A_663 : memref<128x144xf32, #tpu.memory_space<vmem>>[vector<16xi32>, vector<16xi32>], vector<16xf32>,
        %broadcast_in_dim3A_664 = arith.constant 130 : i32
        %broadcast_in_dim3A_665 = vector.broadcast %broadcast_in_dim3A_664 : i32 to vector<16xi32>
        %gather3A_666 = tpu.vector_load_idx %arg7[%add3A_633, %broadcast_in_dim3A_665] : memref<128x144xf32, #tpu.memory_space<vmem>>[vector<16xi32>, vector<16xi32>], vector<16xf32>,
        %broadcast_in_dim3A_667 = arith.constant 2 : i32
        %broadcast_in_dim3A_668 = vector.broadcast %broadcast_in_dim3A_667 : i32 to vector<16xi32>
        %gather3A_669 = tpu.vector_load_idx %arg8[%add3A_633, %broadcast_in_dim3A_668] : memref<128x16xf32, #tpu.memory_space<vmem>>[vector<16xi32>, vector<16xi32>], vector<16xf32>,
        %add3A_670 = arith.addf %gather3A_666, %gather3A_669 : vector<16xf32>
        %ge3A_671 = arith.constant 0.000000e+00 : f32
        %ge3A_672 = vector.broadcast %ge3A_671 : f32 to vector<16xf32>
        %ge3A_673 = arith.cmpf oge, %add3A_670, %ge3A_672 : vector<16xf32>
        %mul3A_674 = arith.constant 2.000000e-01 : f32
        %mul3A_675 = vector.broadcast %mul3A_674 : f32 to vector<16xf32>
        %mul3A_676 = arith.mulf %mul3A_675, %add3A_670 : vector<16xf32>
        %select_n3A_677 = arith.select %ge3A_673, %add3A_670, %mul3A_676 : vector<16xi1>, vector<16xf32>
        %exp3A_678 = math.exp %select_n3A_677 : vector<16xf32>
        tpu.vector_store_idx %arg7[%add3A_633, %broadcast_in_dim3A_665], %exp3A_678 : memref<128x144xf32, #tpu.memory_space<vmem>>[vector<16xi32>, vector<16xi32>], vector<16xf32>,
        %broadcast_in_dim3A_679 = arith.constant 131 : i32
        %broadcast_in_dim3A_680 = vector.broadcast %broadcast_in_dim3A_679 : i32 to vector<16xi32>
        %gather3A_681 = tpu.vector_load_idx %arg7[%add3A_633, %broadcast_in_dim3A_680] : memref<128x144xf32, #tpu.memory_space<vmem>>[vector<16xi32>, vector<16xi32>], vector<16xf32>,
        %broadcast_in_dim3A_682 = arith.constant 3 : i32
        %broadcast_in_dim3A_683 = vector.broadcast %broadcast_in_dim3A_682 : i32 to vector<16xi32>
        %gather3A_684 = tpu.vector_load_idx %arg8[%add3A_633, %broadcast_in_dim3A_683] : memref<128x16xf32, #tpu.memory_space<vmem>>[vector<16xi32>, vector<16xi32>], vector<16xf32>,
        %add3A_685 = arith.addf %gather3A_681, %gather3A_684 : vector<16xf32>
        %ge3A_686 = arith.constant 0.000000e+00 : f32
        %ge3A_687 = vector.broadcast %ge3A_686 : f32 to vector<16xf32>
        %ge3A_688 = arith.cmpf oge, %add3A_685, %ge3A_687 : vector<16xf32>
        %mul3A_689 = arith.constant 2.000000e-01 : f32
        %mul3A_690 = vector.broadcast %mul3A_689 : f32 to vector<16xf32>
        %mul3A_691 = arith.mulf %mul3A_690, %add3A_685 : vector<16xf32>
        %select_n3A_692 = arith.select %ge3A_688, %add3A_685, %mul3A_691 : vector<16xi1>, vector<16xf32>
        %exp3A_693 = math.exp %select_n3A_692 : vector<16xf32>
        tpu.vector_store_idx %arg7[%add3A_633, %broadcast_in_dim3A_680], %exp3A_693 : memref<128x144xf32, #tpu.memory_space<vmem>>[vector<16xi32>, vector<16xi32>], vector<16xf32>,
        %scan3A_694 = arith.constant 0 : i32
        %scan3A_695 = arith.constant 0 : i32
        %scan3A_696 = arith.constant 128 : i32
        %scan3A_697 = arith.addi %scan3A_695, %scan3A_696 : i32
        %scan3A_698 = arith.constant 1 : i32
        %scan3A_699 = scf.for %scan3A_702 = %scan3A_695 to %scan3A_697 step %scan3A_698 iter_args(%scan3A_703 = %scan3A_694) -> (i32)  : i32 {
          %get3A_704 = arith.index_cast %scan3A_702 : i32 to index
          %get3A_705 = arith.constant 128 : index
          %get3A_706 = tpu.vector_load %arg7[%get3A_704, %get3A_705] {strides = array<i32>} : memref<128x144xf32, #tpu.memory_space<vmem>>, vector<16xf32>,
          %get3A_707 = arith.index_cast %scan3A_702 : i32 to index
          %get3A_708 = arith.constant 0 : index
          %get3A_709 = tpu.vector_load %arg7[%get3A_707, %get3A_708] {strides = array<i32>} : memref<128x144xf32, #tpu.memory_space<vmem>>, vector<16xf32>,
          %slice3A = vector.extract_strided_slice %get3A_706 {offsets = [0], sizes = [1], strides = [1]} : vector<16xf32> to vector<1xf32>
          %squeeze3A = vector.extract %slice3A[0] : f32 from vector<1xf32>
          %mul3A_710 = vector.broadcast %squeeze3A : f32 to vector<16xf32>
          %mul3A_711 = arith.mulf %get3A_709, %mul3A_710 : vector<16xf32>
          %swap3A_712 = arith.index_cast %scan3A_702 : i32 to index
          %swap3A_713 = arith.constant 0 : index
          %swap3A_714 = tpu.vector_load %arg7[%swap3A_712, %swap3A_713] {strides = array<i32>} : memref<128x144xf32, #tpu.memory_space<vmem>>, vector<16xf32>,
          tpu.vector_store %arg7[%swap3A_712, %swap3A_713], %mul3A_711 {strides = array<i32>} : memref<128x144xf32, #tpu.memory_space<vmem>>, vector<16xf32>,
          %get3A_715 = arith.index_cast %scan3A_702 : i32 to index
          %get3A_716 = arith.constant 16 : index
          %get3A_717 = tpu.vector_load %arg7[%get3A_715, %get3A_716] {strides = array<i32>} : memref<128x144xf32, #tpu.memory_space<vmem>>, vector<16xf32>,
          %slice3A_718 = vector.extract_strided_slice %get3A_706 {offsets = [0], sizes = [1], strides = [1]} : vector<16xf32> to vector<1xf32>
          %squeeze3A_719 = vector.extract %slice3A_718[0] : f32 from vector<1xf32>
          %mul3A_720 = vector.broadcast %squeeze3A_719 : f32 to vector<16xf32>
          %mul3A_721 = arith.mulf %get3A_717, %mul3A_720 : vector<16xf32>
          %swap3A_722 = arith.index_cast %scan3A_702 : i32 to index
          %swap3A_723 = arith.constant 16 : index
          %swap3A_724 = tpu.vector_load %arg7[%swap3A_722, %swap3A_723] {strides = array<i32>} : memref<128x144xf32, #tpu.memory_space<vmem>>, vector<16xf32>,
          tpu.vector_store %arg7[%swap3A_722, %swap3A_723], %mul3A_721 {strides = array<i32>} : memref<128x144xf32, #tpu.memory_space<vmem>>, vector<16xf32>,
          %get3A_725 = arith.index_cast %scan3A_702 : i32 to index
          %get3A_726 = arith.constant 32 : index
          %get3A_727 = tpu.vector_load %arg7[%get3A_725, %get3A_726] {strides = array<i32>} : memref<128x144xf32, #tpu.memory_space<vmem>>, vector<16xf32>,
          %slice3A_728 = vector.extract_strided_slice %get3A_706 {offsets = [1], sizes = [1], strides = [1]} : vector<16xf32> to vector<1xf32>
          %squeeze3A_729 = vector.extract %slice3A_728[0] : f32 from vector<1xf32>
          %mul3A_730 = vector.broadcast %squeeze3A_729 : f32 to vector<16xf32>
          %mul3A_731 = arith.mulf %get3A_727, %mul3A_730 : vector<16xf32>
          %swap3A_732 = arith.index_cast %scan3A_702 : i32 to index
          %swap3A_733 = arith.constant 32 : index
          %swap3A_734 = tpu.vector_load %arg7[%swap3A_732, %swap3A_733] {strides = array<i32>} : memref<128x144xf32, #tpu.memory_space<vmem>>, vector<16xf32>,
          tpu.vector_store %arg7[%swap3A_732, %swap3A_733], %mul3A_731 {strides = array<i32>} : memref<128x144xf32, #tpu.memory_space<vmem>>, vector<16xf32>,
          %get3A_735 = arith.index_cast %scan3A_702 : i32 to index
          %get3A_736 = arith.constant 48 : index
          %get3A_737 = tpu.vector_load %arg7[%get3A_735, %get3A_736] {strides = array<i32>} : memref<128x144xf32, #tpu.memory_space<vmem>>, vector<16xf32>,
          %slice3A_738 = vector.extract_strided_slice %get3A_706 {offsets = [1], sizes = [1], strides = [1]} : vector<16xf32> to vector<1xf32>
          %squeeze3A_739 = vector.extract %slice3A_738[0] : f32 from vector<1xf32>
          %mul3A_740 = vector.broadcast %squeeze3A_739 : f32 to vector<16xf32>
          %mul3A_741 = arith.mulf %get3A_737, %mul3A_740 : vector<16xf32>
          %swap3A_742 = arith.index_cast %scan3A_702 : i32 to index
          %swap3A_743 = arith.constant 48 : index
          %swap3A_744 = tpu.vector_load %arg7[%swap3A_742, %swap3A_743] {strides = array<i32>} : memref<128x144xf32, #tpu.memory_space<vmem>>, vector<16xf32>,
          tpu.vector_store %arg7[%swap3A_742, %swap3A_743], %mul3A_741 {strides = array<i32>} : memref<128x144xf32, #tpu.memory_space<vmem>>, vector<16xf32>,
          %get3A_745 = arith.index_cast %scan3A_702 : i32 to index
          %get3A_746 = arith.constant 64 : index
          %get3A_747 = tpu.vector_load %arg7[%get3A_745, %get3A_746] {strides = array<i32>} : memref<128x144xf32, #tpu.memory_space<vmem>>, vector<16xf32>,
          %slice3A_748 = vector.extract_strided_slice %get3A_706 {offsets = [2], sizes = [1], strides = [1]} : vector<16xf32> to vector<1xf32>
          %squeeze3A_749 = vector.extract %slice3A_748[0] : f32 from vector<1xf32>
          %mul3A_750 = vector.broadcast %squeeze3A_749 : f32 to vector<16xf32>
          %mul3A_751 = arith.mulf %get3A_747, %mul3A_750 : vector<16xf32>
          %swap3A_752 = arith.index_cast %scan3A_702 : i32 to index
          %swap3A_753 = arith.constant 64 : index
          %swap3A_754 = tpu.vector_load %arg7[%swap3A_752, %swap3A_753] {strides = array<i32>} : memref<128x144xf32, #tpu.memory_space<vmem>>, vector<16xf32>,
          tpu.vector_store %arg7[%swap3A_752, %swap3A_753], %mul3A_751 {strides = array<i32>} : memref<128x144xf32, #tpu.memory_space<vmem>>, vector<16xf32>,
          %get3A_755 = arith.index_cast %scan3A_702 : i32 to index
          %get3A_756 = arith.constant 80 : index
          %get3A_757 = tpu.vector_load %arg7[%get3A_755, %get3A_756] {strides = array<i32>} : memref<128x144xf32, #tpu.memory_space<vmem>>, vector<16xf32>,
          %slice3A_758 = vector.extract_strided_slice %get3A_706 {offsets = [2], sizes = [1], strides = [1]} : vector<16xf32> to vector<1xf32>
          %squeeze3A_759 = vector.extract %slice3A_758[0] : f32 from vector<1xf32>
          %mul3A_760 = vector.broadcast %squeeze3A_759 : f32 to vector<16xf32>
          %mul3A_761 = arith.mulf %get3A_757, %mul3A_760 : vector<16xf32>
          %swap3A_762 = arith.index_cast %scan3A_702 : i32 to index
          %swap3A_763 = arith.constant 80 : index
          %swap3A_764 = tpu.vector_load %arg7[%swap3A_762, %swap3A_763] {strides = array<i32>} : memref<128x144xf32, #tpu.memory_space<vmem>>, vector<16xf32>,
          tpu.vector_store %arg7[%swap3A_762, %swap3A_763], %mul3A_761 {strides = array<i32>} : memref<128x144xf32, #tpu.memory_space<vmem>>, vector<16xf32>,
          %get3A_765 = arith.index_cast %scan3A_702 : i32 to index
          %get3A_766 = arith.constant 96 : index
          %get3A_767 = tpu.vector_load %arg7[%get3A_765, %get3A_766] {strides = array<i32>} : memref<128x144xf32, #tpu.memory_space<vmem>>, vector<16xf32>,
          %slice3A_768 = vector.extract_strided_slice %get3A_706 {offsets = [3], sizes = [1], strides = [1]} : vector<16xf32> to vector<1xf32>
          %squeeze3A_769 = vector.extract %slice3A_768[0] : f32 from vector<1xf32>
          %mul3A_770 = vector.broadcast %squeeze3A_769 : f32 to vector<16xf32>
          %mul3A_771 = arith.mulf %get3A_767, %mul3A_770 : vector<16xf32>
          %swap3A_772 = arith.index_cast %scan3A_702 : i32 to index
          %swap3A_773 = arith.constant 96 : index
          %swap3A_774 = tpu.vector_load %arg7[%swap3A_772, %swap3A_773] {strides = array<i32>} : memref<128x144xf32, #tpu.memory_space<vmem>>, vector<16xf32>,
          tpu.vector_store %arg7[%swap3A_772, %swap3A_773], %mul3A_771 {strides = array<i32>} : memref<128x144xf32, #tpu.memory_space<vmem>>, vector<16xf32>,
          %get3A_775 = arith.index_cast %scan3A_702 : i32 to index
          %get3A_776 = arith.constant 112 : index
          %get3A_777 = tpu.vector_load %arg7[%get3A_775, %get3A_776] {strides = array<i32>} : memref<128x144xf32, #tpu.memory_space<vmem>>, vector<16xf32>,
          %slice3A_778 = vector.extract_strided_slice %get3A_706 {offsets = [3], sizes = [1], strides = [1]} : vector<16xf32> to vector<1xf32>
          %squeeze3A_779 = vector.extract %slice3A_778[0] : f32 from vector<1xf32>
          %mul3A_780 = vector.broadcast %squeeze3A_779 : f32 to vector<16xf32>
          %mul3A_781 = arith.mulf %get3A_777, %mul3A_780 : vector<16xf32>
          %swap3A_782 = arith.index_cast %scan3A_702 : i32 to index
          %swap3A_783 = arith.constant 112 : index
          %swap3A_784 = tpu.vector_load %arg7[%swap3A_782, %swap3A_783] {strides = array<i32>} : memref<128x144xf32, #tpu.memory_space<vmem>>, vector<16xf32>,
          tpu.vector_store %arg7[%swap3A_782, %swap3A_783], %mul3A_781 {strides = array<i32>} : memref<128x144xf32, #tpu.memory_space<vmem>>, vector<16xf32>,
          %scan3A_785 = arith.constant 0 : i32
          scf.yield %scan3A_785 : i32
        }
        %scan3A_700 = arith.constant 128 : i32
        "tpu.region"() ({
          %run_scoped3A = tpu.sem_alloc : memref<!tpu.dma_semaphore, #tpu.memory_space<semaphore_mem>>
          %dma_start3A_702 = arith.constant 0 : i32
          %dma_start3A_703 = arith.constant 0 : i32
          %dma_start3A_704 = tpu.memref_slice %arg6[%dma_start3A_702, %dma_start3A_703] : memref<10240x144xf32, #tpu.memory_space<vmem_shared>> -> memref<10240x144xf32, #tpu.memory_space<vmem_shared>>
          tpu.enqueue_indirect_dma source(%arg7 : memref<128x144xf32, #tpu.memory_space<vmem>>) target(%dma_start3A_704 : memref<10240x144xf32, #tpu.memory_space<vmem_shared>>) offsets(%arg11 : memref<128xi32, #tpu.memory_space<vmem>>) semaphore(%run_scoped3A : memref<!tpu.dma_semaphore, #tpu.memory_space<semaphore_mem>>) {add = true}
          %dma_wait3A_705 = arith.constant 0 : i32
          %dma_wait3A_706 = arith.constant 0 : i32
          %dma_wait3A_707 = tpu.memref_slice %arg6[%dma_wait3A_705, %dma_wait3A_706] : memref<10240x144xf32, #tpu.memory_space<vmem_shared>> -> memref<10240x144xf32, #tpu.memory_space<vmem_shared>>
          tpu.wait_indirect_dma semaphore(%run_scoped3A : memref<!tpu.dma_semaphore, #tpu.memory_space<semaphore_mem>>) src(%arg7 : memref<128x144xf32, #tpu.memory_space<vmem>>) dst(%dma_wait3A_707 : memref<10240x144xf32, #tpu.memory_space<vmem_shared>>)
          tpu.yield
        }) : () -> ()
        %scan3A_701 = arith.constant 0 : i32
        scf.yield %scan3A_701 : i32
      }
      %scan3A_38 = arith.constant 8 : i32
      %scan3A_39 = arith.constant 0 : i32
      scf.yield %scan3A_39 : i32
    }
    %scan3A_21 = arith.constant 11 : i32
    %barrier3A_22 = arith.constant 0 : index
    tpu.barrier barrier_id(%barrier3A_22)
    %mul3A_23 = arith.constant 640 : i32
    %mul3A_24 = arith.muli %arg1, %mul3A_23 : i32
    %mul3A_25 = arith.constant 640 : i32
    %mul3A_26 = arith.muli %arg1, %mul3A_25 : i32
    "tpu.region"() ({
      %run_scoped3A = tpu.sem_alloc : memref<!tpu.dma_semaphore, #tpu.memory_space<semaphore_mem>>
      %dma_start3A = arith.constant 0 : i32
      %dma_start3A_27 = tpu.memref_slice %arg5[%arg0, %mul3A_26, %dma_start3A] : memref<2x10240x144xf32, #tpu.memory_space<hbm>> -> memref<1x640x144xf32, #tpu.memory_space<hbm>>
      %dma_start3A_28 = tpu.memref_squeeze %dma_start3A_27 : memref<1x640x144xf32, #tpu.memory_space<hbm>> -> memref<640x144xf32, #tpu.memory_space<hbm>>
      %dma_start3A_29 = arith.constant 0 : i32
      %dma_start3A_30 = tpu.memref_slice %arg6[%mul3A_24, %dma_start3A_29] : memref<10240x144xf32, #tpu.memory_space<vmem_shared>> -> memref<640x144xf32, #tpu.memory_space<vmem_shared>>
      tpu.enqueue_dma source(%dma_start3A_30 : memref<640x144xf32, #tpu.memory_space<vmem_shared>>) target(%dma_start3A_28 : memref<640x144xf32, #tpu.memory_space<hbm>>) target_semaphore(%run_scoped3A : memref<!tpu.dma_semaphore, #tpu.memory_space<semaphore_mem>>)
      %dma_wait3A = arith.constant 0 : i32
      %dma_wait3A_31 = tpu.memref_slice %arg5[%arg0, %mul3A_26, %dma_wait3A] : memref<2x10240x144xf32, #tpu.memory_space<hbm>> -> memref<1x640x144xf32, #tpu.memory_space<hbm>>
      %dma_wait3A_32 = tpu.memref_squeeze %dma_wait3A_31 : memref<1x640x144xf32, #tpu.memory_space<hbm>> -> memref<640x144xf32, #tpu.memory_space<hbm>>
      %dma_wait3A_33 = arith.constant 0 : i32
      %dma_wait3A_34 = tpu.memref_slice %arg6[%mul3A_24, %dma_wait3A_33] : memref<10240x144xf32, #tpu.memory_space<vmem_shared>> -> memref<640x144xf32, #tpu.memory_space<vmem_shared>>
      tpu.wait_dma2 semaphore(%run_scoped3A : memref<!tpu.dma_semaphore, #tpu.memory_space<semaphore_mem>>) src(%dma_wait3A_34 : memref<640x144xf32, #tpu.memory_space<vmem_shared>>) dst(%dma_wait3A_32 : memref<640x144xf32, #tpu.memory_space<hbm>>)
      tpu.yield
    }) : () -> ()
    return
  }
}

module attributes {stable_mosaic.version = 14 : i64} {
  func.func @_k1_body(%arg0: i32, %arg1: memref<1024x128xf32, #tpu.memory_space<vmem>>, %arg2: memref<128x128xf32, #tpu.memory_space<vmem>>, %arg3: memref<128x4xf32, #tpu.memory_space<vmem>>, %arg4: memref<128x4xf32, #tpu.memory_space<vmem>>, %arg5: memref<1024x144xf32, #tpu.memory_space<vmem>>, %arg6: memref<1024x16xf32, #tpu.memory_space<vmem>>) attributes {dimension_semantics = [#tpu.dimension_semantics<arbitrary>], iteration_bounds = array<i64: 10>, scalar_prefetch = 0 : i64, scratch_operands = 0 : i64, tpu.core_type = #tpu.core_type<tc>, window_params = [{transform_indices = @transform_0, window_bounds = array<i64: 1024, 128>}, {pipeline_mode = #tpu.pipeline_mode<synchronous>, transform_indices = @transform_1, window_bounds = array<i64: 128, 128>}, {pipeline_mode = #tpu.pipeline_mode<synchronous>, transform_indices = @transform_2, window_bounds = array<i64: 128, 4>}, {pipeline_mode = #tpu.pipeline_mode<synchronous>, transform_indices = @transform_3, window_bounds = array<i64: 128, 4>}, {transform_indices = @transform_4, window_bounds = array<i64: 1024, 144>}, {transform_indices = @transform_5, window_bounds = array<i64: 1024, 16>}]} {
    %get3A = arith.constant 0 : index
    %get3A_0 = arith.constant 0 : index
    %get3A_1 = vector.load %arg1[%get3A, %get3A_0] : memref<1024x128xf32, #tpu.memory_space<vmem>>, vector<1024x128xf32>
    %get3A_2 = arith.constant 0 : index
    %get3A_3 = arith.constant 0 : index
    %get3A_4 = vector.load %arg2[%get3A_2, %get3A_3] : memref<128x128xf32, #tpu.memory_space<vmem>>, vector<128x128xf32>
    %dot_general3A = arith.constant dense<0.000000e+00> : vector<1024x128xf32>
    %dot_general3A_5 = tpu.matmul %get3A_1, %get3A_4, %dot_general3A {dimension_numbers = #tpu.dot_dimension_numbers<[1], [0], [0], [1], [0, 0, 1, 1], [], []>, precision = #tpu.contract_precision<fp32>, transpose_lhs_hint = false} : vector<1024x128xf32>, vector<128x128xf32>, vector<1024x128xf32> -> vector<1024x128xf32>
    %get3A_6 = arith.constant 0 : index
    %get3A_7 = arith.constant 0 : index
    %get3A_8 = vector.load %arg3[%get3A_6, %get3A_7] : memref<128x4xf32, #tpu.memory_space<vmem>>, vector<128x4xf32>
    %dot_general3A_9 = arith.constant dense<0.000000e+00> : vector<1024x4xf32>
    %dot_general3A_10 = tpu.matmul %dot_general3A_5, %get3A_8, %dot_general3A_9 {dimension_numbers = #tpu.dot_dimension_numbers<[1], [0], [0], [1], [0, 0, 1, 1], [], []>, precision = #tpu.contract_precision<fp32>, transpose_lhs_hint = false} : vector<1024x128xf32>, vector<128x4xf32>, vector<1024x4xf32> -> vector<1024x4xf32>
    %get3A_11 = arith.constant 0 : index
    %get3A_12 = arith.constant 0 : index
    %get3A_13 = vector.load %arg4[%get3A_11, %get3A_12] : memref<128x4xf32, #tpu.memory_space<vmem>>, vector<128x4xf32>
    %dot_general3A_14 = arith.constant dense<0.000000e+00> : vector<1024x4xf32>
    %dot_general3A_15 = tpu.matmul %dot_general3A_5, %get3A_13, %dot_general3A_14 {dimension_numbers = #tpu.dot_dimension_numbers<[1], [0], [0], [1], [0, 0, 1, 1], [], []>, precision = #tpu.contract_precision<fp32>, transpose_lhs_hint = false} : vector<1024x128xf32>, vector<128x4xf32>, vector<1024x4xf32> -> vector<1024x4xf32>
    %mul3A = arith.constant 1024 : i32
    %mul3A_16 = arith.muli %arg0, %mul3A : i32
    %iota3A = tpu.iota {dimensions = array<i32: 0>} : vector<1024x1xi32>
    %add3A = vector.broadcast %mul3A_16 : i32 to vector<1024x1xi32>
    %add3A_17 = arith.addi %add3A, %iota3A : vector<1024x1xi32>
    %ge3A = arith.constant 10000 : i32
    %ge3A_18 = vector.broadcast %ge3A : i32 to vector<1024x1xi32>
    %ge3A_19 = arith.cmpi sge, %add3A_17, %ge3A_18 : vector<1024x1xi32>
    %jit3A = arith.constant -1.000000e+30 : f32
    %broadcast_in_dim3A = vector.shape_cast %ge3A_19 : vector<1024x1xi1> to vector<1024x1xi1>
    %broadcast_in_dim3A_20 = vector.broadcast %broadcast_in_dim3A : vector<1024x1xi1> to vector<1024x4xi1>
    %broadcast_in_dim3A_21 = vector.broadcast %jit3A : f32 to vector<1024x4xf32>
    %select_n3A = arith.select %broadcast_in_dim3A_20, %broadcast_in_dim3A_21, %dot_general3A_10 : vector<1024x4xi1>, vector<1024x4xf32>
    %jit3A_22 = arith.constant -1.000000e+30 : f32
    %broadcast_in_dim3A_23 = vector.shape_cast %ge3A_19 : vector<1024x1xi1> to vector<1024x1xi1>
    %broadcast_in_dim3A_24 = vector.broadcast %broadcast_in_dim3A_23 : vector<1024x1xi1> to vector<1024x4xi1>
    %broadcast_in_dim3A_25 = vector.broadcast %jit3A_22 : f32 to vector<1024x4xf32>
    %select_n3A_26 = arith.select %broadcast_in_dim3A_24, %broadcast_in_dim3A_25, %dot_general3A_15 : vector<1024x4xi1>, vector<1024x4xf32>
    %broadcast_in_dim3A_27 = arith.constant 0.000000e+00 : f32
    %broadcast_in_dim3A_28 = vector.broadcast %broadcast_in_dim3A_27 : f32 to vector<1024x12xf32>
    %concatenate3A = tpu.concatenate %dot_general3A_5, %select_n3A, %broadcast_in_dim3A_28 in 1 : vector<1024x128xf32>, vector<1024x4xf32>, vector<1024x12xf32> -> vector<1024x144xf32>
    %swap3A = arith.constant 0 : index
    %swap3A_29 = arith.constant 0 : index
    %swap3A_30 = vector.load %arg5[%swap3A, %swap3A_29] : memref<1024x144xf32, #tpu.memory_space<vmem>>, vector<1024x144xf32>
    tpu.vector_store %arg5[%swap3A, %swap3A_29], %concatenate3A {strides = array<i32>} : memref<1024x144xf32, #tpu.memory_space<vmem>>, vector<1024x144xf32>,
    %concatenate3A_31 = tpu.concatenate %select_n3A_26, %broadcast_in_dim3A_28 in 1 : vector<1024x4xf32>, vector<1024x12xf32> -> vector<1024x16xf32>
    %swap3A_32 = arith.constant 0 : index
    %swap3A_33 = arith.constant 0 : index
    %swap3A_34 = vector.load %arg6[%swap3A_32, %swap3A_33] : memref<1024x16xf32, #tpu.memory_space<vmem>>, vector<1024x16xf32>
    tpu.vector_store %arg6[%swap3A_32, %swap3A_33], %concatenate3A_31 {strides = array<i32>} : memref<1024x16xf32, #tpu.memory_space<vmem>>, vector<1024x16xf32>,
    return
  }
  func.func @transform_0(%arg0: i32) -> (i32, i32) {
    %c0_i32 = arith.constant 0 : i32
    %c0_i32_0 = arith.constant 0 : i32
    return %arg0, %c0_i32 : i32, i32
  }
  func.func @transform_1(%arg0: i32) -> (i32, i32) {
    %c0_i32 = arith.constant 0 : i32
    %c0_i32_0 = arith.constant 0 : i32
    %c0_i32_1 = arith.constant 0 : i32
    return %c0_i32, %c0_i32_0 : i32, i32
  }
  func.func @transform_2(%arg0: i32) -> (i32, i32) {
    %c0_i32 = arith.constant 0 : i32
    %c0_i32_0 = arith.constant 0 : i32
    %c0_i32_1 = arith.constant 0 : i32
    return %c0_i32, %c0_i32_0 : i32, i32
  }
  func.func @transform_3(%arg0: i32) -> (i32, i32) {
    %c0_i32 = arith.constant 0 : i32
    %c0_i32_0 = arith.constant 0 : i32
    %c0_i32_1 = arith.constant 0 : i32
    return %c0_i32, %c0_i32_0 : i32, i32
  }
  func.func @transform_4(%arg0: i32) -> (i32, i32) {
    %c0_i32 = arith.constant 0 : i32
    %c0_i32_0 = arith.constant 0 : i32
    return %arg0, %c0_i32 : i32, i32
  }
  func.func @transform_5(%arg0: i32) -> (i32, i32) {
    %c0_i32 = arith.constant 0 : i32
    %c0_i32_0 = arith.constant 0 : i32
    return %arg0, %c0_i32 : i32, i32
  }
}

module attributes {stable_mosaic.version = 14 : i64} {
  func.func @_k3_body(%arg0: i32, %arg1: memref<1024x128xf32, #tpu.memory_space<vmem>>, %arg2: memref<1024x144xf32, #tpu.memory_space<vmem>>, %arg3: memref<1024x144xf32, #tpu.memory_space<vmem>>, %arg4: memref<4x128xf32, #tpu.memory_space<vmem>>, %arg5: memref<128xf32, #tpu.memory_space<vmem>>, %arg6: memref<128xf32, #tpu.memory_space<vmem>>, %arg7: memref<128xf32, #tpu.memory_space<vmem>>, %arg8: memref<128x512xf32, #tpu.memory_space<vmem>>, %arg9: memref<512xf32, #tpu.memory_space<vmem>>, %arg10: memref<512x128xf32, #tpu.memory_space<vmem>>, %arg11: memref<128xf32, #tpu.memory_space<vmem>>, %arg12: memref<128xf32, #tpu.memory_space<vmem>>, %arg13: memref<128xf32, #tpu.memory_space<vmem>>, %arg14: memref<1024x128xf32, #tpu.memory_space<vmem>>) attributes {dimension_semantics = [#tpu.dimension_semantics<arbitrary>], iteration_bounds = array<i64: 10>, scalar_prefetch = 0 : i64, scratch_operands = 0 : i64, tpu.core_type = #tpu.core_type<tc>, window_params = [{transform_indices = @transform_0, window_bounds = array<i64: 1024, 128>}, {transform_indices = @transform_1, window_bounds = array<i64: 1024, 144>}, {transform_indices = @transform_2, window_bounds = array<i64: 1024, 144>}, {pipeline_mode = #tpu.pipeline_mode<synchronous>, transform_indices = @transform_3, window_bounds = array<i64: 4, 128>}, {pipeline_mode = #tpu.pipeline_mode<synchronous>, transform_indices = @transform_4, window_bounds = array<i64: 128>}, {pipeline_mode = #tpu.pipeline_mode<synchronous>, transform_indices = @transform_5, window_bounds = array<i64: 128>}, {pipeline_mode = #tpu.pipeline_mode<synchronous>, transform_indices = @transform_6, window_bounds = array<i64: 128>}, {pipeline_mode = #tpu.pipeline_mode<synchronous>, transform_indices = @transform_7, window_bounds = array<i64: 128, 512>}, {pipeline_mode = #tpu.pipeline_mode<synchronous>, transform_indices = @transform_8, window_bounds = array<i64: 512>}, {pipeline_mode = #tpu.pipeline_mode<synchronous>, transform_indices = @transform_9, window_bounds = array<i64: 512, 128>}, {pipeline_mode = #tpu.pipeline_mode<synchronous>, transform_indices = @transform_10, window_bounds = array<i64: 128>}, {pipeline_mode = #tpu.pipeline_mode<synchronous>, transform_indices = @transform_11, window_bounds = array<i64: 128>}, {pipeline_mode = #tpu.pipeline_mode<synchronous>, transform_indices = @transform_12, window_bounds = array<i64: 128>}, {transform_indices = @transform_13, window_bounds = array<i64: 1024, 128>}]} {
    %get3A = arith.constant 0 : index
    %get3A_0 = arith.constant 0 : index
    %get3A_1 = vector.load %arg2[%get3A, %get3A_0] : memref<1024x144xf32, #tpu.memory_space<vmem>>, vector<1024x144xf32>
    %get3A_2 = arith.constant 0 : index
    %get3A_3 = arith.constant 0 : index
    %get3A_4 = vector.load %arg3[%get3A_2, %get3A_3] : memref<1024x144xf32, #tpu.memory_space<vmem>>, vector<1024x144xf32>
    %add3A = arith.addf %get3A_1, %get3A_4 : vector<1024x144xf32>
    %slice3A = vector.extract_strided_slice %add3A {offsets = [0, 0], sizes = [1024, 128], strides = [1, 1]} : vector<1024x144xf32> to vector<1024x128xf32>
    %slice3A_5 = vector.extract_strided_slice %add3A {offsets = [0, 128], sizes = [1024, 4], strides = [1, 1]} : vector<1024x144xf32> to vector<1024x4xf32>
    %get3A_6 = arith.constant 0 : index
    %get3A_7 = arith.constant 0 : index
    %get3A_8 = vector.load %arg4[%get3A_6, %get3A_7] : memref<4x128xf32, #tpu.memory_space<vmem>>, vector<4x128xf32>
    %dot_general3A = arith.constant dense<0.000000e+00> : vector<1024x128xf32>
    %dot_general3A_9 = tpu.matmul %slice3A_5, %get3A_8, %dot_general3A {dimension_numbers = #tpu.dot_dimension_numbers<[1], [0], [0], [1], [0, 0, 1, 1], [], []>, precision = #tpu.contract_precision<fp32>, transpose_lhs_hint = false} : vector<1024x4xf32>, vector<4x128xf32>, vector<1024x128xf32> -> vector<1024x128xf32>
    %add3A_10 = arith.constant 1.000000e-16 : f32
    %add3A_11 = vector.broadcast %add3A_10 : f32 to vector<1024x128xf32>
    %add3A_12 = arith.addf %dot_general3A_9, %add3A_11 : vector<1024x128xf32>
    %div3A = arith.divf %slice3A, %add3A_12 : vector<1024x128xf32>
    %get3A_13 = arith.constant 0 : index
    %get3A_14 = vector.load %arg5[%get3A_13] : memref<128xf32, #tpu.memory_space<vmem>>, vector<128xf32>
    %broadcast_in_dim3A = vector.shape_cast %get3A_14 : vector<128xf32> to vector<1x128xf32>
    %add3A_15 = vector.broadcast %broadcast_in_dim3A : vector<1x128xf32> to vector<1024x128xf32>
    %add3A_16 = arith.addf %div3A, %add3A_15 : vector<1024x128xf32>
    %get3A_17 = arith.constant 0 : index
    %get3A_18 = arith.constant 0 : index
    %get3A_19 = vector.load %arg1[%get3A_17, %get3A_18] : memref<1024x128xf32, #tpu.memory_space<vmem>>, vector<1024x128xf32>
    %add3A_20 = arith.addf %get3A_19, %add3A_16 : vector<1024x128xf32>
    %reduce_sum3A = arith.constant dense<0.000000e+00> : vector<1024xf32>
    %reduce_sum3A_21 = vector.multi_reduction <add>, %add3A_20, %reduce_sum3A [1] : vector<1024x128xf32> to vector<1024xf32>
    %broadcast_in_dim3A_22 = vector.shape_cast %reduce_sum3A_21 : vector<1024xf32> to vector<1024x1xf32>
    %div3A_23 = arith.constant 1.280000e+02 : f32
    %div3A_24 = vector.broadcast %div3A_23 : f32 to vector<1024x1xf32>
    %div3A_25 = arith.divf %broadcast_in_dim3A_22, %div3A_24 : vector<1024x1xf32>
    %sub3A = vector.broadcast %div3A_25 : vector<1024x1xf32> to vector<1024x128xf32>
    %sub3A_26 = arith.subf %add3A_20, %sub3A : vector<1024x128xf32>
    %integer_pow3A = arith.mulf %sub3A_26, %sub3A_26 : vector<1024x128xf32>
    %reduce_sum3A_27 = arith.constant dense<0.000000e+00> : vector<1024xf32>
    %reduce_sum3A_28 = vector.multi_reduction <add>, %integer_pow3A, %reduce_sum3A_27 [1] : vector<1024x128xf32> to vector<1024xf32>
    %broadcast_in_dim3A_29 = vector.shape_cast %reduce_sum3A_28 : vector<1024xf32> to vector<1024x1xf32>
    %div3A_30 = arith.constant 1.280000e+02 : f32
    %div3A_31 = vector.broadcast %div3A_30 : f32 to vector<1024x1xf32>
    %div3A_32 = arith.divf %broadcast_in_dim3A_29, %div3A_31 : vector<1024x1xf32>
    %sub3A_33 = vector.broadcast %div3A_25 : vector<1024x1xf32> to vector<1024x128xf32>
    %sub3A_34 = arith.subf %add3A_20, %sub3A_33 : vector<1024x128xf32>
    %add3A_35 = arith.constant 9.99999974E-6 : f32
    %add3A_36 = vector.broadcast %add3A_35 : f32 to vector<1024x1xf32>
    %add3A_37 = arith.addf %div3A_32, %add3A_36 : vector<1024x1xf32>
    %sqrt3A = math.sqrt %add3A_37 : vector<1024x1xf32>
    %div3A_38 = vector.broadcast %sqrt3A : vector<1024x1xf32> to vector<1024x128xf32>
    %div3A_39 = arith.divf %sub3A_34, %div3A_38 : vector<1024x128xf32>
    %get3A_40 = arith.constant 0 : index
    %get3A_41 = vector.load %arg6[%get3A_40] : memref<128xf32, #tpu.memory_space<vmem>>, vector<128xf32>
    %broadcast_in_dim3A_42 = vector.shape_cast %get3A_41 : vector<128xf32> to vector<1x128xf32>
    %mul3A = vector.broadcast %broadcast_in_dim3A_42 : vector<1x128xf32> to vector<1024x128xf32>
    %mul3A_43 = arith.mulf %div3A_39, %mul3A : vector<1024x128xf32>
    %get3A_44 = arith.constant 0 : index
    %get3A_45 = vector.load %arg7[%get3A_44] : memref<128xf32, #tpu.memory_space<vmem>>, vector<128xf32>
    %broadcast_in_dim3A_46 = vector.shape_cast %get3A_45 : vector<128xf32> to vector<1x128xf32>
    %add3A_47 = vector.broadcast %broadcast_in_dim3A_46 : vector<1x128xf32> to vector<1024x128xf32>
    %add3A_48 = arith.addf %mul3A_43, %add3A_47 : vector<1024x128xf32>
    %get3A_49 = arith.constant 0 : index
    %get3A_50 = arith.constant 0 : index
    %get3A_51 = vector.load %arg8[%get3A_49, %get3A_50] : memref<128x512xf32, #tpu.memory_space<vmem>>, vector<128x512xf32>
    %dot_general3A_52 = arith.constant dense<0.000000e+00> : vector<1024x512xf32>
    %dot_general3A_53 = tpu.matmul %add3A_48, %get3A_51, %dot_general3A_52 {dimension_numbers = #tpu.dot_dimension_numbers<[1], [0], [0], [1], [0, 0, 1, 1], [], []>, precision = #tpu.contract_precision<fp32>, transpose_lhs_hint = false} : vector<1024x128xf32>, vector<128x512xf32>, vector<1024x512xf32> -> vector<1024x512xf32>
    %get3A_54 = arith.constant 0 : index
    %get3A_55 = vector.load %arg9[%get3A_54] : memref<512xf32, #tpu.memory_space<vmem>>, vector<512xf32>
    %broadcast_in_dim3A_56 = vector.shape_cast %get3A_55 : vector<512xf32> to vector<1x512xf32>
    %add3A_57 = vector.broadcast %broadcast_in_dim3A_56 : vector<1x512xf32> to vector<1024x512xf32>
    %add3A_58 = arith.addf %dot_general3A_53, %add3A_57 : vector<1024x512xf32>
    %mul3A_59 = arith.constant 5.000000e-01 : f32
    %mul3A_60 = vector.broadcast %mul3A_59 : f32 to vector<1024x512xf32>
    %mul3A_61 = arith.mulf %mul3A_60, %add3A_58 : vector<1024x512xf32>
    %mul3A_62 = arith.constant 0.707106769 : f32
    %mul3A_63 = vector.broadcast %mul3A_62 : f32 to vector<1024x512xf32>
    %mul3A_64 = arith.mulf %add3A_58, %mul3A_63 : vector<1024x512xf32>
    %erf3A = math.erf %mul3A_64 : vector<1024x512xf32>
    %add3A_65 = arith.constant 1.000000e+00 : f32
    %add3A_66 = vector.broadcast %add3A_65 : f32 to vector<1024x512xf32>
    %add3A_67 = arith.addf %add3A_66, %erf3A : vector<1024x512xf32>
    %mul3A_68 = arith.mulf %mul3A_61, %add3A_67 : vector<1024x512xf32>
    %get3A_69 = arith.constant 0 : index
    %get3A_70 = arith.constant 0 : index
    %get3A_71 = vector.load %arg10[%get3A_69, %get3A_70] : memref<512x128xf32, #tpu.memory_space<vmem>>, vector<512x128xf32>
    %dot_general3A_72 = arith.constant dense<0.000000e+00> : vector<1024x128xf32>
    %dot_general3A_73 = tpu.matmul %mul3A_68, %get3A_71, %dot_general3A_72 {dimension_numbers = #tpu.dot_dimension_numbers<[1], [0], [0], [1], [0, 0, 1, 1], [], []>, precision = #tpu.contract_precision<fp32>, transpose_lhs_hint = false} : vector<1024x512xf32>, vector<512x128xf32>, vector<1024x128xf32> -> vector<1024x128xf32>
    %get3A_74 = arith.constant 0 : index
    %get3A_75 = vector.load %arg11[%get3A_74] : memref<128xf32, #tpu.memory_space<vmem>>, vector<128xf32>
    %broadcast_in_dim3A_76 = vector.shape_cast %get3A_75 : vector<128xf32> to vector<1x128xf32>
    %add3A_77 = vector.broadcast %broadcast_in_dim3A_76 : vector<1x128xf32> to vector<1024x128xf32>
    %add3A_78 = arith.addf %dot_general3A_73, %add3A_77 : vector<1024x128xf32>
    %add3A_79 = arith.addf %add3A_48, %add3A_78 : vector<1024x128xf32>
    %reduce_sum3A_80 = arith.constant dense<0.000000e+00> : vector<1024xf32>
    %reduce_sum3A_81 = vector.multi_reduction <add>, %add3A_79, %reduce_sum3A_80 [1] : vector<1024x128xf32> to vector<1024xf32>
    %broadcast_in_dim3A_82 = vector.shape_cast %reduce_sum3A_81 : vector<1024xf32> to vector<1024x1xf32>
    %div3A_83 = arith.constant 1.280000e+02 : f32
    %div3A_84 = vector.broadcast %div3A_83 : f32 to vector<1024x1xf32>
    %div3A_85 = arith.divf %broadcast_in_dim3A_82, %div3A_84 : vector<1024x1xf32>
    %sub3A_86 = vector.broadcast %div3A_85 : vector<1024x1xf32> to vector<1024x128xf32>
    %sub3A_87 = arith.subf %add3A_79, %sub3A_86 : vector<1024x128xf32>
    %integer_pow3A_88 = arith.mulf %sub3A_87, %sub3A_87 : vector<1024x128xf32>
    %reduce_sum3A_89 = arith.constant dense<0.000000e+00> : vector<1024xf32>
    %reduce_sum3A_90 = vector.multi_reduction <add>, %integer_pow3A_88, %reduce_sum3A_89 [1] : vector<1024x128xf32> to vector<1024xf32>
    %broadcast_in_dim3A_91 = vector.shape_cast %reduce_sum3A_90 : vector<1024xf32> to vector<1024x1xf32>
    %div3A_92 = arith.constant 1.280000e+02 : f32
    %div3A_93 = vector.broadcast %div3A_92 : f32 to vector<1024x1xf32>
    %div3A_94 = arith.divf %broadcast_in_dim3A_91, %div3A_93 : vector<1024x1xf32>
    %sub3A_95 = vector.broadcast %div3A_85 : vector<1024x1xf32> to vector<1024x128xf32>
    %sub3A_96 = arith.subf %add3A_79, %sub3A_95 : vector<1024x128xf32>
    %add3A_97 = arith.constant 9.99999974E-6 : f32
    %add3A_98 = vector.broadcast %add3A_97 : f32 to vector<1024x1xf32>
    %add3A_99 = arith.addf %div3A_94, %add3A_98 : vector<1024x1xf32>
    %sqrt3A_100 = math.sqrt %add3A_99 : vector<1024x1xf32>
    %div3A_101 = vector.broadcast %sqrt3A_100 : vector<1024x1xf32> to vector<1024x128xf32>
    %div3A_102 = arith.divf %sub3A_96, %div3A_101 : vector<1024x128xf32>
    %get3A_103 = arith.constant 0 : index
    %get3A_104 = vector.load %arg12[%get3A_103] : memref<128xf32, #tpu.memory_space<vmem>>, vector<128xf32>
    %broadcast_in_dim3A_105 = vector.shape_cast %get3A_104 : vector<128xf32> to vector<1x128xf32>
    %mul3A_106 = vector.broadcast %broadcast_in_dim3A_105 : vector<1x128xf32> to vector<1024x128xf32>
    %mul3A_107 = arith.mulf %div3A_102, %mul3A_106 : vector<1024x128xf32>
    %get3A_108 = arith.constant 0 : index
    %get3A_109 = vector.load %arg13[%get3A_108] : memref<128xf32, #tpu.memory_space<vmem>>, vector<128xf32>
    %broadcast_in_dim3A_110 = vector.shape_cast %get3A_109 : vector<128xf32> to vector<1x128xf32>
    %add3A_111 = vector.broadcast %broadcast_in_dim3A_110 : vector<1x128xf32> to vector<1024x128xf32>
    %add3A_112 = arith.addf %mul3A_107, %add3A_111 : vector<1024x128xf32>
    %swap3A = arith.constant 0 : index
    %swap3A_113 = arith.constant 0 : index
    %swap3A_114 = vector.load %arg14[%swap3A, %swap3A_113] : memref<1024x128xf32, #tpu.memory_space<vmem>>, vector<1024x128xf32>
    tpu.vector_store %arg14[%swap3A, %swap3A_113], %add3A_112 {strides = array<i32>} : memref<1024x128xf32, #tpu.memory_space<vmem>>, vector<1024x128xf32>,
    return
  }
  func.func @transform_0(%arg0: i32) -> (i32, i32) {
    %c0_i32 = arith.constant 0 : i32
    %c0_i32_0 = arith.constant 0 : i32
    return %arg0, %c0_i32 : i32, i32
  }
  func.func @transform_1(%arg0: i32) -> (i32, i32) {
    %c0_i32 = arith.constant 0 : i32
    %c0_i32_0 = arith.constant 0 : i32
    return %arg0, %c0_i32 : i32, i32
  }
  func.func @transform_2(%arg0: i32) -> (i32, i32) {
    %c0_i32 = arith.constant 0 : i32
    %c0_i32_0 = arith.constant 0 : i32
    return %arg0, %c0_i32 : i32, i32
  }
  func.func @transform_3(%arg0: i32) -> (i32, i32) {
    %c0_i32 = arith.constant 0 : i32
    %c0_i32_0 = arith.constant 0 : i32
    %c0_i32_1 = arith.constant 0 : i32
    return %c0_i32, %c0_i32_0 : i32, i32
  }
  func.func @transform_4(%arg0: i32) -> i32 {
    %c0_i32 = arith.constant 0 : i32
    %c0_i32_0 = arith.constant 0 : i32
    return %c0_i32 : i32
  }
  func.func @transform_5(%arg0: i32) -> i32 {
    %c0_i32 = arith.constant 0 : i32
    %c0_i32_0 = arith.constant 0 : i32
    return %c0_i32 : i32
  }
  func.func @transform_6(%arg0: i32) -> i32 {
    %c0_i32 = arith.constant 0 : i32
    %c0_i32_0 = arith.constant 0 : i32
    return %c0_i32 : i32
  }
  func.func @transform_7(%arg0: i32) -> (i32, i32) {
    %c0_i32 = arith.constant 0 : i32
    %c0_i32_0 = arith.constant 0 : i32
    %c0_i32_1 = arith.constant 0 : i32
    return %c0_i32, %c0_i32_0 : i32, i32
  }
  func.func @transform_8(%arg0: i32) -> i32 {
    %c0_i32 = arith.constant 0 : i32
    %c0_i32_0 = arith.constant 0 : i32
    return %c0_i32 : i32
  }
  func.func @transform_9(%arg0: i32) -> (i32, i32) {
    %c0_i32 = arith.constant 0 : i32
    %c0_i32_0 = arith.constant 0 : i32
    %c0_i32_1 = arith.constant 0 : i32
    return %c0_i32, %c0_i32_0 : i32, i32
  }
  func.func @transform_10(%arg0: i32) -> i32 {
    %c0_i32 = arith.constant 0 : i32
    %c0_i32_0 = arith.constant 0 : i32
    return %c0_i32 : i32
  }
  func.func @transform_11(%arg0: i32) -> i32 {
    %c0_i32 = arith.constant 0 : i32
    %c0_i32_0 = arith.constant 0 : i32
    return %c0_i32 : i32
  }
  func.func @transform_12(%arg0: i32) -> i32 {
    %c0_i32 = arith.constant 0 : i32
    %c0_i32_0 = arith.constant 0 : i32
    return %c0_i32 : i32
  }
  func.func @transform_13(%arg0: i32) -> (i32, i32) {
    %c0_i32 = arith.constant 0 : i32
    %c0_i32_0 = arith.constant 0 : i32
    return %arg0, %c0_i32 : i32, i32
  }
}

</mosaic_0001>

<sc_bundles>
// kernel: kernel.5.cloned.1.call-start
scs
__scs_entry_jumppad:
0x0: {  	(pc) =	sbr.rel $0x88, $3  }
0x1: {  	(tag) =	ssettag $0x0;
	lr =	simm.s32 $0x1  }
0x2: {  	[smem:$0x3F93] =	sst lr;
	_ =	strace $0xD0000000  }
0x3: {  	_ = 	snop  }
0x4: {  	_ = 	snop  }
0x5: {  	_ = 	snop  }
0x6: {  	_ = 	snop  }
0x7: {  	_ = 	snop  }
__scs_overlays_trampoline_lowered:
0x8: {  	[smem:$0x3FA2] =	sst s0  }
0x9: {  	[smem:$0x3FA3] =	sst s1  }
0xa: {  	[smem:$0x3FA4] =	sst s2  }
0xb: {  	[smem:$0x3FA5] =	sst s3  }
0xc: {  	[smem:$0x3FA6] =	sst s4  }
0xd: {  	[smem:$0x3FA7] =	sst s5  }
0xe: {  	[smem:$0x3FA8] =	sst s6  }
0xf: {  	[smem:$0x3FA9] =	sst s7  }
0x10: {  	[smem:$0x3FAA] =	sst s8  }
0x11: {  	[smem:$0x3FAB] =	sst s9;
	s0 =	simm.s32 @!p0 $0x0  }
0x12: {  	s1 =	sld [smem:$0x3F91];
	s0 =	simm.s32 @p0 $0x1  }
0x13: {  	[smem:$0x3FAC] =	sst s0;
	s0 =	simm.s32 @!p1 $0x0  }
0x14: {  	s2 =	sld [smem:$0x3F90];
	s0 =	simm.s32 @p1 $0x1  }
0x15: {  	[smem:$0x3FAD] =	sst s0;
	s0 =	simm.s32 @!p2 $0x0  }
0x16: {  	s3 =	sld [smem:$0x3FDB];
	s0 =	simm.s32 @p2 $0x1  }
0x17: {  	s4 =	simm.s32 $0x1BF5;
	[smem:$0x3FAF] =	sst s0  }
0x18: {  	s0 =	sld [smem:$0x3F92];
	_ =	swait.ge [sflag:s4], $0x0  }
0x19: {  	s7 =	sld [smem:$0x3F93]  }
0x1a: {  	s8 =	sadd.s32 $0xFFFFE003, lr  }
0x1b: {  	s9 =	sadd.s32 $0xFFFFFEF7, lr;
	s5 =	simm.s32 $0xFFFFFFFF;
	p2 =	slt.u32 s8, $0xFFFFF086  }
0x1c: {  	p1 =	slt.u32 s9, $0xF7A;
	s5 =	simm.s32 @!p2 $0x0  }
0x1d: {  	s5 =	simm.s32 @p1 $0x1;
	p0 =	seq.s32 s7, s2  }
0x1e: {  	s7 =	smul.u32 @!p0 $0xF7A, s2;
	p2 =	seq.s32 @!p0 s5, $0x0  }
0x1f: {  	s9 =	smul.u32 $0xF7A, s1;
	s8 =	simm.s32 @!p0 $0x1BF5;
	p2 =	por !p2, p0  }
0x20: {  	[sflag:s8] =	ssyncset.s32 @!p0 $0xFFFFF086;
	s6 =	sadd.s32 @!p0 s3, s7;
	s7 =	simm.s32 @!p0 $0x108  }
0x21: {  	s3 =	sadd.s32 s3, s9;
	s6 =	sadd.s32 @!p0 $0x88, s6;
	s7 =	simm.s32 @p2 $0x1082  }
0x22: {  	[simem:s7], [sflag:s8] =	dma.local @!p0 [hbm:s6], $0xF7A  }
0x23: {  	s9 =	sor.u32 $0xD0000000, s2;
	s6 =	simm.s32 $0x108;
	_ =	swait.ge @!p0 [sflag:s8], $0x0  }
0x24: {  	s3 =	sadd.s32 $0x88, s3;
	s6 =	simm.s32 @!p1 $0x1082;
	[sflag:s4] =	ssyncset.s32 $0xFFFFF086  }
0x25: {  	[simem:s6], [sflag:s4] =	dma.local [hbm:s3], $0xF7A  }
0x26: {  	[smem:$0x3F93] =	sst s1;
	(tag) =	ssettag s2;
	_ =	strace s9  }
0x27: {  	s1 =	sld [smem:$0x3FA3]  }
0x28: {  	s2 =	sld [smem:$0x3FA4]  }
0x29: {  	s4 =	sld [smem:$0x3FA6]  }
0x2a: {  	p0 =	seq.s32 s5, $0x0;
	s5 =	sld [smem:$0x3FA7]  }
0x2b: {  	s6 =	sld [smem:$0x3FA8]  }
0x2c: {  	s7 =	sld [smem:$0x3FA9]  }
0x2d: {  	s3 =	simm.s32 $0x108;
	s8 =	sld [smem:$0x3FAA]  }
0x2e: {  	s3 =	simm.s32 @!p0 $0x1082;
	s9 =	sld [smem:$0x3FAB]  }
0x2f: {  	lr =	sadd.s32 s0, s3;
	s0 =	sld [smem:$0x3FA2]  }
0x30: {  	s3 =	sld [smem:$0x3FA5]  }
0x31: {  	[smem:$0x3FAE] =	sst s10  }
0x32: {  	s10 =	sld [smem:$0x3FAC];
	_ =	sdelay $0x3  }
0x33: {  	p0 =	seq.s32 s10, $0x1;
	s10 =	sld [smem:$0x3FAE];
	_ =	sdelay $0x3  }
0x34: {  	[smem:$0x3FAE] =	sst s10  }
0x35: {  	s10 =	sld [smem:$0x3FAD];
	_ =	sdelay $0x3  }
0x36: {  	p1 =	seq.s32 s10, $0x1;
	s10 =	sld [smem:$0x3FAE];
	_ =	sdelay $0x3  }
0x37: {  	[smem:$0x3FAE] =	sst s10  }
0x38: {  	s10 =	sld [smem:$0x3FAF]  }
0x39: {  	_ = 	snop;
	(pc) =	sbr.ind lr, $3  }
0x3a: {  	_ = 	snop  }
0x3b: {  	_ = 	snop  }
0x3c: {  	p2 =	seq.s32 s10, $0x1;
	s10 =	sld [smem:$0x3FAE]  }
0x3d: {  	_ =	shalt  }
0x3e: {  	_ =	shalt  }
0x3f: {  	_ =	shalt  }
0x40: {  	_ =	shalt  }
0x41: {  	_ =	shalt  }
0x42: {  	_ =	shalt  }
0x43: {  	_ =	shalt  }
0x44: {  	_ =	shalt  }
0x45: {  	_ =	shalt  }
0x46: {  	_ =	shalt  }
0x47: {  	_ =	shalt  }
0x48: {  	_ =	shalt  }
0x49: {  	_ =	shalt  }
0x4a: {  	_ =	shalt  }
0x4b: {  	_ =	shalt  }
0x4c: {  	_ =	shalt  }
0x4d: {  	_ =	shalt  }
0x4e: {  	_ =	shalt  }
0x4f: {  	_ =	shalt  }
0x50: {  	_ =	shalt  }
0x51: {  	_ =	shalt  }
0x52: {  	_ =	shalt  }
0x53: {  	_ =	shalt  }
0x54: {  	_ =	shalt  }
0x55: {  	_ =	shalt  }
0x56: {  	_ =	shalt  }
0x57: {  	_ =	shalt  }
0x58: {  	_ =	shalt  }
0x59: {  	_ =	shalt  }
0x5a: {  	_ =	shalt  }
0x5b: {  	_ =	shalt  }
0x5c: {  	_ =	shalt  }
0x5d: {  	_ =	shalt  }
0x5e: {  	_ =	shalt  }
0x5f: {  	_ =	shalt  }
0x60: {  	_ =	shalt  }
0x61: {  	_ =	shalt  }
0x62: {  	_ =	shalt  }
0x63: {  	_ =	shalt  }
0x64: {  	_ =	shalt  }
0x65: {  	_ =	shalt  }
0x66: {  	_ =	shalt  }
0x67: {  	_ =	shalt  }
0x68: {  	_ =	shalt  }
0x69: {  	_ =	shalt  }
0x6a: {  	_ =	shalt  }
0x6b: {  	_ =	shalt  }
0x6c: {  	_ =	shalt  }
0x6d: {  	_ =	shalt  }
0x6e: {  	_ =	shalt  }
0x6f: {  	_ =	shalt  }
0x70: {  	_ =	shalt  }
0x71: {  	_ =	shalt  }
0x72: {  	_ =	shalt  }
0x73: {  	_ =	shalt  }
0x74: {  	_ =	shalt  }
0x75: {  	_ =	shalt  }
0x76: {  	_ =	shalt  }
0x77: {  	_ =	shalt  }
0x78: {  	_ =	shalt  }
0x79: {  	_ =	shalt  }
0x7a: {  	_ =	shalt  }
0x7b: {  	_ =	shalt  }
0x7c: {  	_ =	shalt  }
0x7d: {  	_ =	shalt  }
0x7e: {  	_ =	shalt  }
0x7f: {  	_ =	shalt  }
0x80: {  	_ =	shalt  }
0x81: {  	_ =	shalt  }
0x82: {  	_ =	shalt  }
0x83: {  	_ =	shalt  }
0x84: {  	_ =	shalt  }
0x85: {  	_ =	shalt  }
0x86: {  	_ =	shalt  }
0x87: {  	_ =	shalt  }
.Lfunc_end0:
.L_simem_size_0:
called_computation_lowered:
.L_overlay_start_0:
0x88: {  	s2 =	sld [smem:$0x3FD9]  }
0x89: {  	s3 =	sld [smem:$0x3FFE];
	_ =	sdelay $0x1  }
0x8a: {  	s1 =	srdreg.scid  }
0x8b: {  	s0 =	sand.u32 $0x1, s1  }
0x8c: {  	s17 =	sshll.u32 s0, $0xA;
	s2 =	sadd.s32 s3, s2  }
0x8d: {  	s2 =	sadd.s32 s2, s17  }
0x8e: {  	[smem:$0x3FBA] =	sst s2  }
0x8f: {  	_ = 	snop  }
0x90: {  	s2 =	sld [smem:$0x3FD0];
	(tm) =	ssettm $0x1  }
0x91: {  	s18 =	sld [smem:$0x3FFB];
	_ =	sdelay $0x3  }
0x92: {  	_ =	strace s18  }
0x93: {  	s3 =	sld [smem:$0x3FFC];
	_ =	sdelay $0x3  }
0x94: {  	_ =	strace s3  }
0x95: {  	s3 =	sld [smem:$0x3FFD];
	_ =	sdelay $0x3  }
0x96: {  	_ =	strace s3  }
0x97: {  	_ =	strace $0x8FFFFFFF  }
0x98: {  	s19 =	sld [smem:$0x3FDB];
	_ =	sdelay $0x1  }
0x99: {  	s4 =	simm.s32 $_scs_section_size  }
0x9a: {  	s5 =	simm.s32 $_size__tile_overlayer_lowered;
	s6 =	simm.s32 $_tile_overlayer_lowered  }
0x9b: {  	s22 =	simm.s32 $0x1BFF;
	s21 =	sshll.u32 s6, $0x1;
	s3 =	sadd.s32 s4, s19  }
0x9c: {  	s7 =	simm.s32 $0x0;
	s20 =	sshll.u32 s5, $0x1;
	s5 =	sadd.s32 s21, s3  }
0x9d: {  	[timem:s7], [sflag:s22] =	dma.local [hbm:s5], s20  }
0x9e: {  	_ =	swait.ge [sflag:s22], s20  }
0x9f: {  	s4 =	ssub.s32 $0x0, s20;
	[sflag:s22] =	ssyncset.done $0x0  }
0xa0: {  	[sflag:s22] =	ssyncadd.s32 s4;
	_ =	sdelay $0x1  }
0xa1: {  	s23 =	simm.s32 $0x1B8B  }
0xa2: {  	_ =	swait.ge [sflag:s23], $0x1  }
0xa3: {  	[sflag:s23] =	ssyncset.done $0x0  }
0xa4: {  	s25 =	simm.s32 $0x1B8E;
	s24 =	sld [smem:$0x3FFE];
	[sflag:s23] =	ssyncadd.s32 $0xFFFFFFFF  }
0xa5: {  	s26 =	simm.s32 $execute0_lowered;
	[smem:$0x3FD2] =	sst s25  }
0xa6: {  	s5 =	sshll.u32 s26, $0x1;
	_ =	strace $0x80000046;
	[dreg:$0x1] =	wrdreg $0xFFFFFFFF  }
0xa7: {  	s28 =	simm.s32 $_size_execute0_lowered;
	s3 =	sadd.s32 s3, s5;
	[dreg:$0x0] =	wrdreg $0x0  }
0xa8: {  	s5 =	sshll.u32 s28, $0x1;
	[dreg:$0x2] =	wrdreg s3  }
0xa9: {  	[dreg:$0x3] =	wrdreg s5  }
0xaa: {  	[dreg:$0x4] =	wrdreg $0xC0  }
0xab: {  	_ =	task [dreg:s7], $0x5FFFF  }
0xac: {  	[dreg:$0x1] =	wrdreg $0xFFFFFFFF  }
0xad: {  	[dreg:$0x0] =	wrdreg $0x60  }
0xae: {  	[dreg:$0x2] =	wrdreg s24  }
0xaf: {  	[dreg:$0x3] =	wrdreg s2  }
0xb0: {  	[dreg:$0x4] =	wrdreg $0x0  }
0xb1: {  	[dreg:$0x5] =	wrdreg $0x9  }
0xb2: {  	_ =	task.clear_ibuf [dreg:s7], $0x6FFFF;
	_ =	strace $0x90000046  }
0xb3: {  	s29 =	simm.s32 $0x9;
	_ =	strace $0x80000048  }
0xb4: {  	_ =	swait.ge [sflag:s29], $0x1  }
0xb5: {  	[sflag:s29] =	ssyncadd.s32 $0xFFFFFFFF  }
0xb6: {  	_ =	strace $0x90000048  }
0xb7: {  	_ =	sfence  }
0xb8: {  	s30 =	sld [smem:$0x0];
	_ =	sdelay $0x2  }
0xb9: {  	s31 =	sshll.u32 s1, $0xD;
	s1 =	sshrl.u32 s1, $0x2  }
0xba: {  	s3 =	sand.u32 $0x4000, s31;
	s1 =	sadd.s32 s1, s30  }
0xbb: {  	s0 =	sor.u32 s3, s0;
	s1 =	sshll.u32 s1, $0x11  }
0xbc: {  	s0 =	sor.u32 s1, s0  }
0xbd: {  	s0 =	sadd.s32 $0x8F2B, s0  }
0xbe: {  	[sflag:s0] =	ssyncadd.remote.s32 $0x1  }
0xbf: {  	_ =	sfence.sel $0xFFFF  }
0xc0: {  	[dreg:$0x0] =	wrdreg $0xFFFFFFFF;
	(pc) =	sbr.abs _section_cstart, $3  }
0xc1: {  	[dreg:$0x1] =	wrdreg $0xFFFFFFFF  }
0xc2: {  	_ =	task.clear_ibuf [dreg:s7], $0x2FFFF;
	_ =	strace $0x9FFFFFFF  }
0xc3: {  	(tm) =	ssettm $0x7FFFFFFF  }
tec
execute0_lowered:
.L_overlay_start_1:
0x0: {  	(tag) =	ssettag $0x1  }
0x1: {  	v0 =	vlaneseq.u32  }
0x2: {  	v5 =	vmul.u32 $0x90, v0  }
0x3: {  	v1 =	vmul.u32 $0x10, v0  }
0x4: {  	v3 =	vadd.s32 $0x80, v5;
	v4 =	vadd.s32 $0x81, v5  }
0x5: {  	v0 =	vor.u32 $0x1, v1;
	v6 =	vadd.s32 $0x82, v5;
	v8 =	vadd.s32 $0x83, v5  }
0x6: {  	v10 =	vadd.s32 $0x980, v5;
	v12 =	vadd.s32 $0x981, v5;
	v14 =	vadd.s32 $0x982, v5  }
0x7: {  	s2 =	rddreg [dreg:$0x0];
	v16 =	vadd.s32 $0x983, v5;
	v18 =	vadd.s32 $0x1280, v5;
	v20 =	vadd.s32 $0x1281, v5  }
0x8: {  	s0 =	rddreg [dreg:$0x1];
	v22 =	vadd.s32 $0x1282, v5;
	v24 =	vadd.s32 $0x1283, v5;
	v26 =	vadd.s32 $0x1B80, v5  }
0x9: {  	s3 =	srdreg.scid;
	s1 =	rddreg [dreg:$0x2];
	v28 =	vadd.s32 $0x1B81, v5;
	v29 =	vor.u32 $0x301, v1;
	v30 =	vadd.s32 $0x1B82, v5  }
0xa: {  	s12 =	stileid.u32;
	s4 =	simm.s32 $0x0;
	s20 =	simm.s32 $0x16800;
	v31 =	vor.u32 $0x302, v1;
	v32 =	vadd.s32 $0x1B83, v5;
	v33 =	vor.u32 $0x303, v1  }
0xb: {  	s21 =	simm.s32 $0x2;
	s22 =	simm.s32 $0x1B800;
	s23 =	simm.s32 $0x80;
	v34 =	vadd.s32 $0x2480, v5;
	v35 =	vor.u32 $0x400, v1;
	v36 =	vadd.s32 $0x2481, v5  }
0xc: {  	s24 =	simm.s32 $0x1C000;
	s28 =	simm.s32 $0x1C080;
	s29 =	simm.s32 $0x1B000;
	v37 =	vor.u32 $0x401, v1;
	v38 =	vadd.s32 $0x2482, v5;
	[tilespmem:$0x1FF40] =	vst v0;
	v0 =	vor.u32 $0x2, v1  }
0xd: {  	s30 =	simm.s32 $0x0;
	s8 =	smul.u32 $0x16800, s12;
	[smem:$0x7FF] =	sst s4;
	v39 =	vor.u32 $0x402, v1;
	v40 =	vadd.s32 $0x2483, v5;
	[tilespmem:$0x1FF50] =	vst v0;
	v0 =	vor.u32 $0x3, v1  }
0xe: {  	s3 =	sand.u32 $0x1, s3;
	s5 =	sadd.s32 $0x1800, s2;
	s11 =	smul.u32 $0x5A000, s12;
	v41 =	vor.u32 $0x403, v1;
	v42 =	vadd.s32 $0x2D80, v5;
	[tilespmem:$0x1FF60] =	vst v0;
	v0 =	vor.u32 $0x100, v1  }
0xf: {  	s6 =	smul.u32 $0x168000, s3;
	s9 =	ssub.s32 $0x2, s3;
	s3 =	sshll.u32 s3, $0x4;
	v43 =	vor.u32 $0x500, v1;
	v44 =	vadd.s32 $0x2D81, v5;
	[tilespmem:$0x1FF70] =	vst v0;
	v0 =	vor.u32 $0x101, v1  }
0x10: {  	s10 =	sshrl.u32 s9, $0x1;
	s3 =	sor.u32 s12, s3;
	s25 =	sshrl.u32 s11, $0x2;
	v45 =	vor.u32 $0x501, v1;
	v46 =	vadd.s32 $0x2D82, v5;
	[tilespmem:$0x1FF80] =	vst v0;
	v0 =	vor.u32 $0x102, v1  }
0x11: {  	s26 =	sadd.s32 s8, s1;
	v47 =	vor.u32 $0x502, v1;
	v48 =	vadd.s32 $0x2D83, v5;
	s7 =	sadd.s32 s8, s6;
	s6 =	sadd.s32 $0x2E800, s2;
	[tilespmem:$0x1FF90] =	vst v0;
	v0 =	vor.u32 $0x103, v1  }
0x12: {  	v49 =	vor.u32 $0x503, v1;
	v50 =	vadd.s32 $0x3680, v5;
	s9 =	ssub.s32 s9, s10;
	s10 =	sadd.s32 s25, s1;
	s25 =	sshrl.u32 s26, $0x3;
	[tilespmem:$0x1FFA0] =	vst v0;
	v0 =	vor.u32 $0x200, v1  }
0x13: {  	v51 =	vor.u32 $0x600, v1;
	v52 =	vadd.s32 $0x3681, v5;
	s26 =	simm.s32 $0x1;
	s7 =	sshrl.u32 s7, $0x3;
	s31 =	smax.u32 s9, $0x1;
	[tilespmem:$0x1FFB0] =	vst v0;
	v0 =	vor.u32 $0x201, v1  }
0x14: {  	v53 =	vor.u32 $0x601, v1;
	s11 =	sadd.s32 $0x2400, s10;
	s12 =	sadd.s32 $0x4800, s10;
	s13 =	sadd.s32 $0x6C00, s10;
	[tilespmem:$0x1FFC0] =	vst v0;
	v0 =	vor.u32 $0x202, v1  }
0x15: {  	v54 =	vadd.s32 $0x3682, v5;
	v55 =	vor.u32 $0x602, v1;
	s14 =	sadd.s32 $0x9000, s10;
	s15 =	sadd.s32 $0xB400, s10;
	s2 =	sadd.s32 s7, s2;
	[tilespmem:$0x1FFD0] =	vst v0;
	v0 =	vor.u32 $0x203, v1  }
0x16: {  	v2 =	vimm.f32 $0.0e+00;
	v56 =	vadd.s32 $0x3683, v5;
	v57 =	vor.u32 $0x603, v1;
	s16 =	sadd.s32 $0xD800, s10;
	s17 =	sadd.s32 $0xFC00, s10;
	s2 =	sadd.s32 $0x33800, s2;
	[tilespmem:$0x1FFE0] =	vst v0  }
0x17: {  	v58 =	vadd.s32 $0x3F80, v5;
	v59 =	vor.u32 $0x700, v1;
	s18 =	sadd.s32 $0x12000, s10;
	v0 =	vor.u32 $0x300, v1;
	_ =	strace $0x80000047;
	[dreg:$0x4] =	wrdreg s2  }
0x18: {  	v60 =	vadd.s32 $0x3F81, v5;
	v61 =	vor.u32 $0x701, v1;
	v27 =	vmovc v5;
	v62 =	vadd.s32 $0x3F82, v5;
	s19 =	sadd.s32 $0x14400, s10;
	s7 =	smul.u32 $0xB, s3;
	[tilespmem:$0x1FFF0] =	vst v0;
	[dreg:$0x5] =	wrdreg s31  }
.LBB2_1:
0x19: {  	s2 =	simm.s32 $0x0;
	s3 =	simm.s32 $0x240  }
.LBB2_2:
0x1a: {  	p0 =	sne.s32 s3, $0x11DC0;
	[tilespmem:s2+$0x16880] =	vst v2  }
0x1b: {  	[tilespmem:s2+$0x16800] =	vst v2  }
0x1c: {  	[tilespmem:s2+$0x16810] =	vst v2  }
0x1d: {  	[tilespmem:s2+$0x16820] =	vst v2  }
.Ltmp0:
0x1e: {  	[tilespmem:s2+$0x16830] =	vst v2;
	(pc) =	sbr.rel @p0 .LBB2_2-.Ltmp0, $4  }
0x1f: {  	[tilespmem:s2+$0x16840] =	vst v2  }
0x20: {  	[tilespmem:s2+$0x16850] =	vst v2  }
0x21: {  	[tilespmem:s2+$0x16860] =	vst v2  }
0x22: {  	[tilespmem:s2+$0x16870] =	vst v2;
	s2 =	sshra.s32 s3, $0x2;
	s3 =	sadd.s32 $0x240, s3  }
0x23: {  	[tilespmem:s2+$0x16880] =	vst v2  }
0x24: {  	[tilespmem:s2+$0x16800] =	vst v2  }
0x25: {  	[tilespmem:s2+$0x16810] =	vst v2  }
0x26: {  	[tilespmem:s2+$0x16820] =	vst v2  }
0x27: {  	[tilespmem:s2+$0x16830] =	vst v2  }
0x28: {  	[tilespmem:s2+$0x16840] =	vst v2  }
0x29: {  	[tilespmem:s2+$0x16850] =	vst v2  }
0x2a: {  	[tilespmem:s2+$0x16860] =	vst v2  }
0x2b: {  	[tilespmem:s2+$0x16870] =	vst v2  }
0x2c: {  	[spmem:s10] =	stream.linear.scatter [tilespmem:s20], [sflag:$0x2], $0x2400, $0x38;
	[tilespmem:$0x1C100] =	vst v63  }
0x2d: {  	_ =	swait.ge [sflag:s21], $0x2400  }
0x2e: {  	[sflag:s21] =	ssyncset.done $0x0  }
0x2f: {  	[sflag:s21] =	ssyncadd.s32 $0xFFFFDC00  }
0x30: {  	[spmem:s11] =	stream.linear.scatter [tilespmem:s20], [sflag:$0x2], $0x2400, $0x38;
	[tilespmem:$0x1C100] =	vst v63  }
0x31: {  	_ =	swait.ge [sflag:s21], $0x2400  }
0x32: {  	[sflag:s21] =	ssyncset.done $0x0  }
0x33: {  	[sflag:s21] =	ssyncadd.s32 $0xFFFFDC00  }
0x34: {  	[spmem:s12] =	stream.linear.scatter [tilespmem:s20], [sflag:$0x2], $0x2400, $0x38;
	[tilespmem:$0x1C100] =	vst v63  }
0x35: {  	_ =	swait.ge [sflag:s21], $0x2400  }
0x36: {  	[sflag:s21] =	ssyncset.done $0x0  }
0x37: {  	[sflag:s21] =	ssyncadd.s32 $0xFFFFDC00  }
0x38: {  	[spmem:s13] =	stream.linear.scatter [tilespmem:s20], [sflag:$0x2], $0x2400, $0x38;
	[tilespmem:$0x1C100] =	vst v63  }
0x39: {  	_ =	swait.ge [sflag:s21], $0x2400  }
0x3a: {  	[sflag:s21] =	ssyncset.done $0x0  }
0x3b: {  	[sflag:s21] =	ssyncadd.s32 $0xFFFFDC00  }
0x3c: {  	[spmem:s14] =	stream.linear.scatter [tilespmem:s20], [sflag:$0x2], $0x2400, $0x38;
	[tilespmem:$0x1C100] =	vst v63  }
0x3d: {  	_ =	swait.ge [sflag:s21], $0x2400  }
0x3e: {  	[sflag:s21] =	ssyncset.done $0x0  }
0x3f: {  	[sflag:s21] =	ssyncadd.s32 $0xFFFFDC00  }
0x40: {  	[spmem:s15] =	stream.linear.scatter [tilespmem:s20], [sflag:$0x2], $0x2400, $0x38;
	[tilespmem:$0x1C100] =	vst v63  }
0x41: {  	_ =	swait.ge [sflag:s21], $0x2400  }
0x42: {  	[sflag:s21] =	ssyncset.done $0x0  }
0x43: {  	[sflag:s21] =	ssyncadd.s32 $0xFFFFDC00  }
0x44: {  	[spmem:s16] =	stream.linear.scatter [tilespmem:s20], [sflag:$0x2], $0x2400, $0x38;
	[tilespmem:$0x1C100] =	vst v63  }
0x45: {  	_ =	swait.ge [sflag:s21], $0x2400  }
0x46: {  	[sflag:s21] =	ssyncset.done $0x0  }
0x47: {  	[sflag:s21] =	ssyncadd.s32 $0xFFFFDC00  }
0x48: {  	[spmem:s17] =	stream.linear.scatter [tilespmem:s20], [sflag:$0x2], $0x2400, $0x38;
	[tilespmem:$0x1C100] =	vst v63  }
0x49: {  	_ =	swait.ge [sflag:s21], $0x2400  }
0x4a: {  	[sflag:s21] =	ssyncset.done $0x0  }
0x4b: {  	[sflag:s21] =	ssyncadd.s32 $0xFFFFDC00  }
0x4c: {  	[spmem:s18] =	stream.linear.scatter [tilespmem:s20], [sflag:$0x2], $0x2400, $0x38;
	[tilespmem:$0x1C100] =	vst v63  }
0x4d: {  	_ =	swait.ge [sflag:s21], $0x2400  }
0x4e: {  	[sflag:s21] =	ssyncset.done $0x0  }
0x4f: {  	[sflag:s21] =	ssyncadd.s32 $0xFFFFDC00  }
0x50: {  	[spmem:s19] =	stream.linear.scatter [tilespmem:s20], [sflag:$0x2], $0x2400, $0x38;
	[tilespmem:$0x1C100] =	vst v63  }
0x51: {  	_ =	swait.ge [sflag:s21], $0x2400  }
0x52: {  	[sflag:s21] =	ssyncset.done $0x0  }
0x53: {  	[sflag:s21] =	ssyncadd.s32 $0xFFFFDC00  }
0x54: {  	s31 =	simm.s32 $0x0;
	[bflag:$0x0] =	sbarrier.arrive $0xFFFF  }
.LBB2_4:
0x55: {  	s2 =	sadd.s32 s7, s31  }
0x56: {  	s2 =	sshll.u32 s2, $0x8  }
0x57: {  	s2 =	sadd.s32 s0, s2  }
0x58: {  	[tilespmem:s22], [sflag:$0x2] =	stream.linear.gather [hbm4b:s2+s30], $0x800, $0x38;
	[tilespmem:$0x1C100] =	vst v63  }
0x59: {  	_ =	swait.ge [sflag:s21], $0x800  }
0x5a: {  	[sflag:s21] =	ssyncset.done $0x0  }
0x5b: {  	s3 =	simm.s32 $0x0;
	[sflag:s21] =	ssyncadd.s32 $0xFFFFF800  }
.LBB2_5:
0x5c: {  	s2 =	sshll.u32 s3, $0x8  }
0x5d: {  	s2 =	sand.u32 $0x3FFFFF00, s2  }
0x5e: {  	v0 =	vld [tilespmem:s2+$0x1B800];
	_ =	sdelay $0x4  }
0x5f: {  	[tilespmem:$0x1C000] =	vst v0  }
0x60: {  	v0 =	vld [tilespmem:s2+$0x1B880];
	_ =	sdelay $0x4  }
0x61: {  	[tilespmem:$0x1C080] =	vst v0  }
0x62: {  	v0 =	vld [tilespmem:s2+$0x1B810];
	_ =	sdelay $0x4  }
0x63: {  	[tilespmem:$0x1C010] =	vst v0  }
0x64: {  	v0 =	vld [tilespmem:s2+$0x1B890];
	_ =	sdelay $0x4  }
0x65: {  	[tilespmem:$0x1C090] =	vst v0  }
0x66: {  	v0 =	vld [tilespmem:s2+$0x1B820];
	_ =	sdelay $0x4  }
0x67: {  	[tilespmem:$0x1C020] =	vst v0  }
0x68: {  	v0 =	vld [tilespmem:s2+$0x1B8A0];
	_ =	sdelay $0x4  }
0x69: {  	[tilespmem:$0x1C0A0] =	vst v0  }
0x6a: {  	v0 =	vld [tilespmem:s2+$0x1B830];
	_ =	sdelay $0x4  }
0x6b: {  	[tilespmem:$0x1C030] =	vst v0  }
0x6c: {  	v0 =	vld [tilespmem:s2+$0x1B8B0];
	_ =	sdelay $0x4  }
0x6d: {  	[tilespmem:$0x1C0B0] =	vst v0  }
0x6e: {  	v0 =	vld [tilespmem:s2+$0x1B840];
	_ =	sdelay $0x4  }
0x6f: {  	[tilespmem:$0x1C040] =	vst v0  }
0x70: {  	v0 =	vld [tilespmem:s2+$0x1B8C0];
	_ =	sdelay $0x4  }
0x71: {  	[tilespmem:$0x1C0C0] =	vst v0  }
0x72: {  	v0 =	vld [tilespmem:s2+$0x1B850];
	_ =	sdelay $0x4  }
0x73: {  	[tilespmem:$0x1C050] =	vst v0  }
0x74: {  	v0 =	vld [tilespmem:s2+$0x1B8D0];
	_ =	sdelay $0x4  }
0x75: {  	[tilespmem:$0x1C0D0] =	vst v0  }
0x76: {  	v0 =	vld [tilespmem:s2+$0x1B860];
	_ =	sdelay $0x4  }
0x77: {  	[tilespmem:$0x1C060] =	vst v0  }
0x78: {  	v0 =	vld [tilespmem:s2+$0x1B8E0];
	_ =	sdelay $0x4  }
0x79: {  	[tilespmem:$0x1C0E0] =	vst v0  }
0x7a: {  	v0 =	vld [tilespmem:s2+$0x1B870];
	_ =	sdelay $0x4  }
0x7b: {  	[tilespmem:$0x1C070] =	vst v0  }
0x7c: {  	v0 =	vld [tilespmem:s2+$0x1B8F0];
	_ =	sdelay $0x4  }
0x7d: {  	[tilespmem:$0x1C0F0] =	vst v0  }
0x7e: {  	[tilespmem:s20], [sflag:$0x1] =	stream.indirect.gather [hbm4b:s5+s23], $0x90, s24, s23, $0xb8;
	[tilespmem:$0x1C100] =	vst v63  }
0x7f: {  	_ =	swait.ge [sflag:s26], $0x4800  }
0x80: {  	[sflag:s26] =	ssyncset.done $0x0  }
0x81: {  	[sflag:s26] =	ssyncadd.s32 $0xFFFFB800  }
0x82: {  	[tilespmem:s29], [sflag:$0x1] =	stream.indirect.gather [hbm4b:s6+s23], $0x10, s28, s23, $0xb8;
	[tilespmem:$0x1C100] =	vst v63  }
0x83: {  	_ =	swait.ge [sflag:s26], $0x800  }
0x84: {  	[sflag:s26] =	ssyncset.done $0x0  }
0x85: {  	[sflag:s26] =	ssyncadd.s32 $0xFFFFF800  }
0x86: {  	v0 =	vld.idx.msk [tilespmem:v3+s20+$0x0], $0xffff  }
0x87: {  	v5 =	vld.idx.msk [tilespmem:v1+s29+$0x0], $0xffff;
	_ =	sdelay $0x4  }
0x88: {  	v0 =	vadd.f32 v5, v0;
	_ =	sdelay $0x1  }
0x89: {  	v5 =	vmul.f32 $2.000000030e-01, v0  }
0x8a: {  	vm0 =	vge.f32 v0, $0.0e+00  }
0x8b: {  	v0 =	vsel vm0, v0, v5  }
0x8c: {  	v0 =	vmul.f32 $1.442695020e+00, v0;
	_ =	sdelay $0x1  }
0x8d: {  	(erf) = vpow2.f32 v0;
	_ =	sdelay $0x3  }
0x8e: {  	v5 =	vld [tilespmem:$0x1FF40];
	_ =	sdelay $0x4  }
0x8f: {  	v0 =	vpop (erf)  }
0x90: {  	[tilespmem:v3+s20+$0x0] =	vst.idx.msk $0xffff, v0  }
0x91: {  	v0 =	vld.idx.msk [tilespmem:v4+s20+$0x0], $0xffff  }
0x92: {  	v5 =	vld.idx.msk [tilespmem:v5+s29+$0x0], $0xffff;
	_ =	sdelay $0x4  }
0x93: {  	v0 =	vadd.f32 v5, v0;
	_ =	sdelay $0x1  }
0x94: {  	v5 =	vmul.f32 $2.000000030e-01, v0  }
0x95: {  	vm9 =	vge.f32 v0, $0.0e+00  }
0x96: {  	v0 =	vsel vm9, v0, v5  }
0x97: {  	v0 =	vmul.f32 $1.442695020e+00, v0;
	_ =	sdelay $0x1  }
0x98: {  	(erf) = vpow2.f32 v0;
	_ =	sdelay $0x3  }
0x99: {  	v5 =	vld [tilespmem:$0x1FF50];
	_ =	sdelay $0x4  }
0x9a: {  	v0 =	vpop (erf)  }
0x9b: {  	[tilespmem:v4+s20+$0x0] =	vst.idx.msk $0xffff, v0  }
0x9c: {  	v0 =	vld.idx.msk [tilespmem:v6+s20+$0x0], $0xffff  }
0x9d: {  	v5 =	vld.idx.msk [tilespmem:v5+s29+$0x0], $0xffff;
	_ =	sdelay $0x4  }
0x9e: {  	v0 =	vadd.f32 v5, v0;
	_ =	sdelay $0x1  }
0x9f: {  	v5 =	vmul.f32 $2.000000030e-01, v0  }
0xa0: {  	vm10 =	vge.f32 v0, $0.0e+00  }
0xa1: {  	v0 =	vsel vm10, v0, v5  }
0xa2: {  	v0 =	vmul.f32 $1.442695020e+00, v0;
	_ =	sdelay $0x1  }
0xa3: {  	(erf) = vpow2.f32 v0;
	_ =	sdelay $0x3  }
0xa4: {  	v5 =	vld [tilespmem:$0x1FF60];
	_ =	sdelay $0x4  }
0xa5: {  	v0 =	vpop (erf)  }
0xa6: {  	[tilespmem:v6+s20+$0x0] =	vst.idx.msk $0xffff, v0  }
0xa7: {  	v0 =	vld.idx.msk [tilespmem:v8+s20+$0x0], $0xffff  }
0xa8: {  	v5 =	vld.idx.msk [tilespmem:v5+s29+$0x0], $0xffff;
	_ =	sdelay $0x4  }
0xa9: {  	v0 =	vadd.f32 v5, v0;
	_ =	sdelay $0x1  }
0xaa: {  	v5 =	vmul.f32 $2.000000030e-01, v0  }
0xab: {  	vm11 =	vge.f32 v0, $0.0e+00  }
0xac: {  	v0 =	vsel vm11, v0, v5  }
0xad: {  	v0 =	vmul.f32 $1.442695020e+00, v0;
	_ =	sdelay $0x1  }
0xae: {  	(erf) = vpow2.f32 v0;
	_ =	sdelay $0x3  }
0xaf: {  	v5 =	vld [tilespmem:$0x1FF70];
	_ =	sdelay $0x4  }
0xb0: {  	v0 =	vpop (erf)  }
0xb1: {  	[tilespmem:v8+s20+$0x0] =	vst.idx.msk $0xffff, v0  }
0xb2: {  	v0 =	vld.idx.msk [tilespmem:v10+s20+$0x0], $0xffff  }
0xb3: {  	v5 =	vld.idx.msk [tilespmem:v5+s29+$0x0], $0xffff;
	_ =	sdelay $0x4  }
0xb4: {  	v0 =	vadd.f32 v5, v0;
	_ =	sdelay $0x1  }
0xb5: {  	v5 =	vmul.f32 $2.000000030e-01, v0  }
0xb6: {  	vm12 =	vge.f32 v0, $0.0e+00  }
0xb7: {  	v0 =	vsel vm12, v0, v5  }
0xb8: {  	v0 =	vmul.f32 $1.442695020e+00, v0;
	_ =	sdelay $0x1  }
0xb9: {  	(erf) = vpow2.f32 v0;
	_ =	sdelay $0x3  }
0xba: {  	v5 =	vld [tilespmem:$0x1FF80];
	_ =	sdelay $0x4  }
0xbb: {  	v0 =	vpop (erf)  }
0xbc: {  	[tilespmem:v10+s20+$0x0] =	vst.idx.msk $0xffff, v0  }
0xbd: {  	v0 =	vld.idx.msk [tilespmem:v12+s20+$0x0], $0xffff  }
0xbe: {  	v5 =	vld.idx.msk [tilespmem:v5+s29+$0x0], $0xffff;
	_ =	sdelay $0x4  }
0xbf: {  	v0 =	vadd.f32 v5, v0;
	_ =	sdelay $0x1  }
0xc0: {  	v5 =	vmul.f32 $2.000000030e-01, v0  }
0xc1: {  	vm13 =	vge.f32 v0, $0.0e+00  }
0xc2: {  	v0 =	vsel vm13, v0, v5  }
0xc3: {  	v0 =	vmul.f32 $1.442695020e+00, v0;
	_ =	sdelay $0x1  }
0xc4: {  	(erf) = vpow2.f32 v0;
	_ =	sdelay $0x3  }
0xc5: {  	v5 =	vld [tilespmem:$0x1FF90];
	_ =	sdelay $0x4  }
0xc6: {  	v0 =	vpop (erf)  }
0xc7: {  	[tilespmem:v12+s20+$0x0] =	vst.idx.msk $0xffff, v0  }
0xc8: {  	v0 =	vld.idx.msk [tilespmem:v14+s20+$0x0], $0xffff  }
0xc9: {  	v5 =	vld.idx.msk [tilespmem:v5+s29+$0x0], $0xffff;
	_ =	sdelay $0x4  }
0xca: {  	v0 =	vadd.f32 v5, v0;
	_ =	sdelay $0x1  }
0xcb: {  	v5 =	vmul.f32 $2.000000030e-01, v0  }
0xcc: {  	vm14 =	vge.f32 v0, $0.0e+00  }
0xcd: {  	v0 =	vsel vm14, v0, v5  }
0xce: {  	v0 =	vmul.f32 $1.442695020e+00, v0;
	_ =	sdelay $0x1  }
0xcf: {  	(erf) = vpow2.f32 v0;
	_ =	sdelay $0x3  }
0xd0: {  	v5 =	vld [tilespmem:$0x1FFA0];
	_ =	sdelay $0x4  }
0xd1: {  	v0 =	vpop (erf)  }
0xd2: {  	[tilespmem:v14+s20+$0x0] =	vst.idx.msk $0xffff, v0  }
0xd3: {  	v0 =	vld.idx.msk [tilespmem:v16+s20+$0x0], $0xffff  }
0xd4: {  	v5 =	vld.idx.msk [tilespmem:v5+s29+$0x0], $0xffff;
	_ =	sdelay $0x4  }
0xd5: {  	v0 =	vadd.f32 v5, v0;
	_ =	sdelay $0x1  }
0xd6: {  	v5 =	vmul.f32 $2.000000030e-01, v0  }
0xd7: {  	vm15 =	vge.f32 v0, $0.0e+00  }
0xd8: {  	v0 =	vsel vm15, v0, v5  }
0xd9: {  	v0 =	vmul.f32 $1.442695020e+00, v0;
	_ =	sdelay $0x1  }
0xda: {  	(erf) = vpow2.f32 v0;
	_ =	sdelay $0x3  }
0xdb: {  	v5 =	vld [tilespmem:$0x1FFB0];
	_ =	sdelay $0x4  }
0xdc: {  	v0 =	vpop (erf)  }
0xdd: {  	[tilespmem:v16+s20+$0x0] =	vst.idx.msk $0xffff, v0  }
0xde: {  	v0 =	vld.idx.msk [tilespmem:v18+s20+$0x0], $0xffff  }
0xdf: {  	v5 =	vld.idx.msk [tilespmem:v5+s29+$0x0], $0xffff;
	_ =	sdelay $0x4  }
0xe0: {  	v0 =	vadd.f32 v5, v0;
	_ =	sdelay $0x1  }
0xe1: {  	v5 =	vmul.f32 $2.000000030e-01, v0  }
0xe2: {  	vm4 =	vge.f32 v0, $0.0e+00  }
0xe3: {  	v0 =	vsel vm4, v0, v5  }
0xe4: {  	v0 =	vmul.f32 $1.442695020e+00, v0;
	_ =	sdelay $0x1  }
0xe5: {  	(erf) = vpow2.f32 v0;
	_ =	sdelay $0x3  }
0xe6: {  	v5 =	vld [tilespmem:$0x1FFC0];
	_ =	sdelay $0x4  }
0xe7: {  	v0 =	vpop (erf)  }
0xe8: {  	[tilespmem:v18+s20+$0x0] =	vst.idx.msk $0xffff, v0  }
0xe9: {  	v0 =	vld.idx.msk [tilespmem:v20+s20+$0x0], $0xffff  }
0xea: {  	v5 =	vld.idx.msk [tilespmem:v5+s29+$0x0], $0xffff;
	_ =	sdelay $0x4  }
0xeb: {  	v0 =	vadd.f32 v5, v0;
	_ =	sdelay $0x1  }
0xec: {  	v5 =	vmul.f32 $2.000000030e-01, v0  }
0xed: {  	vm5 =	vge.f32 v0, $0.0e+00  }
0xee: {  	v0 =	vsel vm5, v0, v5  }
0xef: {  	v0 =	vmul.f32 $1.442695020e+00, v0;
	_ =	sdelay $0x1  }
0xf0: {  	(erf) = vpow2.f32 v0;
	_ =	sdelay $0x3  }
0xf1: {  	v5 =	vld [tilespmem:$0x1FFD0];
	_ =	sdelay $0x4  }
0xf2: {  	v0 =	vpop (erf)  }
0xf3: {  	[tilespmem:v20+s20+$0x0] =	vst.idx.msk $0xffff, v0  }
0xf4: {  	v0 =	vld.idx.msk [tilespmem:v22+s20+$0x0], $0xffff  }
0xf5: {  	v5 =	vld.idx.msk [tilespmem:v5+s29+$0x0], $0xffff;
	_ =	sdelay $0x4  }
0xf6: {  	v0 =	vadd.f32 v5, v0;
	_ =	sdelay $0x1  }
0xf7: {  	v5 =	vmul.f32 $2.000000030e-01, v0  }
0xf8: {  	vm6 =	vge.f32 v0, $0.0e+00  }
0xf9: {  	v0 =	vsel vm6, v0, v5  }
0xfa: {  	v0 =	vmul.f32 $1.442695020e+00, v0;
	_ =	sdelay $0x1  }
0xfb: {  	(erf) = vpow2.f32 v0;
	_ =	sdelay $0x3  }
0xfc: {  	v5 =	vld [tilespmem:$0x1FFE0];
	_ =	sdelay $0x4  }
0xfd: {  	v0 =	vpop (erf)  }
0xfe: {  	[tilespmem:v22+s20+$0x0] =	vst.idx.msk $0xffff, v0  }
0xff: {  	v0 =	vld.idx.msk [tilespmem:v24+s20+$0x0], $0xffff  }
0x100: {  	v5 =	vld.idx.msk [tilespmem:v5+s29+$0x0], $0xffff;
	_ =	sdelay $0x4  }
0x101: {  	v0 =	vadd.f32 v5, v0;
	_ =	sdelay $0x1  }
0x102: {  	v5 =	vmul.f32 $2.000000030e-01, v0  }
0x103: {  	vm7 =	vge.f32 v0, $0.0e+00  }
0x104: {  	v0 =	vsel vm7, v0, v5  }
0x105: {  	v0 =	vmul.f32 $1.442695020e+00, v0;
	_ =	sdelay $0x1  }
0x106: {  	(erf) = vpow2.f32 v0;
	_ =	sdelay $0x3  }
0x107: {  	v5 =	vld [tilespmem:$0x1FFF0];
	_ =	sdelay $0x4  }
0x108: {  	v0 =	vpop (erf)  }
0x109: {  	[tilespmem:v24+s20+$0x0] =	vst.idx.msk $0xffff, v0  }
0x10a: {  	v0 =	vld.idx.msk [tilespmem:v26+s20+$0x0], $0xffff  }
0x10b: {  	v5 =	vld.idx.msk [tilespmem:v5+s29+$0x0], $0xffff;
	_ =	sdelay $0x4  }
0x10c: {  	v0 =	vadd.f32 v5, v0;
	_ =	sdelay $0x1  }
0x10d: {  	v5 =	vmul.f32 $2.000000030e-01, v0  }
0x10e: {  	vm8 =	vge.f32 v0, $0.0e+00  }
0x10f: {  	v0 =	vsel vm8, v0, v5  }
0x110: {  	v0 =	vmul.f32 $1.442695020e+00, v0;
	_ =	sdelay $0x1  }
0x111: {  	(erf) = vpow2.f32 v0;
	_ =	sdelay $0x8  }
0x112: {  	v0 =	vpop (erf)  }
0x113: {  	[tilespmem:v26+s20+$0x0] =	vst.idx.msk $0xffff, v0  }
0x114: {  	v0 =	vld.idx.msk [tilespmem:v28+s20+$0x0], $0xffff  }
0x115: {  	v5 =	vld.idx.msk [tilespmem:v29+s29+$0x0], $0xffff;
	_ =	sdelay $0x4  }
0x116: {  	v0 =	vadd.f32 v5, v0;
	_ =	sdelay $0x1  }
0x117: {  	v5 =	vmul.f32 $2.000000030e-01, v0  }
0x118: {  	vm9 =	vge.f32 v0, $0.0e+00  }
0x119: {  	v0 =	vsel vm9, v0, v5  }
0x11a: {  	v0 =	vmul.f32 $1.442695020e+00, v0;
	_ =	sdelay $0x1  }
0x11b: {  	(erf) = vpow2.f32 v0;
	_ =	sdelay $0x8  }
0x11c: {  	v0 =	vpop (erf)  }
0x11d: {  	[tilespmem:v28+s20+$0x0] =	vst.idx.msk $0xffff, v0  }
0x11e: {  	v0 =	vld.idx.msk [tilespmem:v30+s20+$0x0], $0xffff  }
0x11f: {  	v5 =	vld.idx.msk [tilespmem:v31+s29+$0x0], $0xffff;
	_ =	sdelay $0x4  }
0x120: {  	v0 =	vadd.f32 v5, v0;
	_ =	sdelay $0x1  }
0x121: {  	v5 =	vmul.f32 $2.000000030e-01, v0  }
0x122: {  	vm10 =	vge.f32 v0, $0.0e+00  }
0x123: {  	v0 =	vsel vm10, v0, v5  }
0x124: {  	v0 =	vmul.f32 $1.442695020e+00, v0;
	_ =	sdelay $0x1  }
0x125: {  	(erf) = vpow2.f32 v0;
	_ =	sdelay $0x8  }
0x126: {  	v0 =	vpop (erf)  }
0x127: {  	[tilespmem:v30+s20+$0x0] =	vst.idx.msk $0xffff, v0  }
0x128: {  	v0 =	vld.idx.msk [tilespmem:v32+s20+$0x0], $0xffff  }
0x129: {  	v5 =	vld.idx.msk [tilespmem:v33+s29+$0x0], $0xffff;
	_ =	sdelay $0x4  }
0x12a: {  	v0 =	vadd.f32 v5, v0;
	_ =	sdelay $0x1  }
0x12b: {  	v5 =	vmul.f32 $2.000000030e-01, v0  }
0x12c: {  	vm11 =	vge.f32 v0, $0.0e+00  }
0x12d: {  	v0 =	vsel vm11, v0, v5  }
0x12e: {  	v0 =	vmul.f32 $1.442695020e+00, v0;
	_ =	sdelay $0x1  }
0x12f: {  	(erf) = vpow2.f32 v0;
	_ =	sdelay $0x8  }
0x130: {  	v0 =	vpop (erf)  }
0x131: {  	[tilespmem:v32+s20+$0x0] =	vst.idx.msk $0xffff, v0  }
0x132: {  	v0 =	vld.idx.msk [tilespmem:v34+s20+$0x0], $0xffff  }
0x133: {  	v5 =	vld.idx.msk [tilespmem:v35+s29+$0x0], $0xffff;
	_ =	sdelay $0x4  }
0x134: {  	v0 =	vadd.f32 v5, v0;
	_ =	sdelay $0x1  }
0x135: {  	v5 =	vmul.f32 $2.000000030e-01, v0  }
0x136: {  	vm12 =	vge.f32 v0, $0.0e+00  }
0x137: {  	v0 =	vsel vm12, v0, v5  }
0x138: {  	v0 =	vmul.f32 $1.442695020e+00, v0;
	_ =	sdelay $0x1  }
0x139: {  	(erf) = vpow2.f32 v0;
	_ =	sdelay $0x8  }
0x13a: {  	v0 =	vpop (erf)  }
0x13b: {  	[tilespmem:v34+s20+$0x0] =	vst.idx.msk $0xffff, v0  }
0x13c: {  	v0 =	vld.idx.msk [tilespmem:v36+s20+$0x0], $0xffff  }
0x13d: {  	v5 =	vld.idx.msk [tilespmem:v37+s29+$0x0], $0xffff;
	_ =	sdelay $0x4  }
0x13e: {  	v0 =	vadd.f32 v5, v0;
	_ =	sdelay $0x1  }
0x13f: {  	v5 =	vmul.f32 $2.000000030e-01, v0  }
0x140: {  	vm13 =	vge.f32 v0, $0.0e+00  }
0x141: {  	v0 =	vsel vm13, v0, v5  }
0x142: {  	v0 =	vmul.f32 $1.442695020e+00, v0;
	_ =	sdelay $0x1  }
0x143: {  	(erf) = vpow2.f32 v0;
	_ =	sdelay $0x8  }
0x144: {  	v0 =	vpop (erf)  }
0x145: {  	[tilespmem:v36+s20+$0x0] =	vst.idx.msk $0xffff, v0  }
0x146: {  	v0 =	vld.idx.msk [tilespmem:v38+s20+$0x0], $0xffff  }
0x147: {  	v5 =	vld.idx.msk [tilespmem:v39+s29+$0x0], $0xffff;
	_ =	sdelay $0x4  }
0x148: {  	v0 =	vadd.f32 v5, v0;
	_ =	sdelay $0x1  }
0x149: {  	v5 =	vmul.f32 $2.000000030e-01, v0  }
0x14a: {  	vm14 =	vge.f32 v0, $0.0e+00  }
0x14b: {  	v0 =	vsel vm14, v0, v5  }
0x14c: {  	v0 =	vmul.f32 $1.442695020e+00, v0;
	_ =	sdelay $0x1  }
0x14d: {  	(erf) = vpow2.f32 v0;
	_ =	sdelay $0x8  }
0x14e: {  	v0 =	vpop (erf)  }
0x14f: {  	[tilespmem:v38+s20+$0x0] =	vst.idx.msk $0xffff, v0  }
0x150: {  	v0 =	vld.idx.msk [tilespmem:v40+s20+$0x0], $0xffff  }
0x151: {  	v5 =	vld.idx.msk [tilespmem:v41+s29+$0x0], $0xffff;
	_ =	sdelay $0x4  }
0x152: {  	v0 =	vadd.f32 v5, v0;
	_ =	sdelay $0x1  }
0x153: {  	v5 =	vmul.f32 $2.000000030e-01, v0  }
0x154: {  	vm15 =	vge.f32 v0, $0.0e+00  }
0x155: {  	v0 =	vsel vm15, v0, v5  }
0x156: {  	v0 =	vmul.f32 $1.442695020e+00, v0;
	_ =	sdelay $0x1  }
0x157: {  	(erf) = vpow2.f32 v0;
	_ =	sdelay $0x8  }
0x158: {  	v0 =	vpop (erf)  }
0x159: {  	[tilespmem:v40+s20+$0x0] =	vst.idx.msk $0xffff, v0  }
0x15a: {  	v0 =	vld.idx.msk [tilespmem:v42+s20+$0x0], $0xffff  }
0x15b: {  	v5 =	vld.idx.msk [tilespmem:v43+s29+$0x0], $0xffff;
	_ =	sdelay $0x4  }
0x15c: {  	v0 =	vadd.f32 v5, v0;
	_ =	sdelay $0x1  }
0x15d: {  	v5 =	vmul.f32 $2.000000030e-01, v0  }
0x15e: {  	vm4 =	vge.f32 v0, $0.0e+00  }
0x15f: {  	v0 =	vsel vm4, v0, v5  }
0x160: {  	v0 =	vmul.f32 $1.442695020e+00, v0;
	_ =	sdelay $0x1  }
0x161: {  	(erf) = vpow2.f32 v0;
	_ =	sdelay $0x8  }
0x162: {  	v0 =	vpop (erf)  }
0x163: {  	[tilespmem:v42+s20+$0x0] =	vst.idx.msk $0xffff, v0  }
0x164: {  	v0 =	vld.idx.msk [tilespmem:v44+s20+$0x0], $0xffff  }
0x165: {  	v5 =	vld.idx.msk [tilespmem:v45+s29+$0x0], $0xffff;
	_ =	sdelay $0x4  }
0x166: {  	v0 =	vadd.f32 v5, v0;
	_ =	sdelay $0x1  }
0x167: {  	v5 =	vmul.f32 $2.000000030e-01, v0  }
0x168: {  	vm5 =	vge.f32 v0, $0.0e+00  }
0x169: {  	v0 =	vsel vm5, v0, v5  }
0x16a: {  	v0 =	vmul.f32 $1.442695020e+00, v0;
	_ =	sdelay $0x1  }
0x16b: {  	(erf) = vpow2.f32 v0;
	_ =	sdelay $0x8  }
0x16c: {  	v0 =	vpop (erf)  }
0x16d: {  	[tilespmem:v44+s20+$0x0] =	vst.idx.msk $0xffff, v0  }
0x16e: {  	v0 =	vld.idx.msk [tilespmem:v46+s20+$0x0], $0xffff  }
0x16f: {  	v5 =	vld.idx.msk [tilespmem:v47+s29+$0x0], $0xffff;
	_ =	sdelay $0x4  }
0x170: {  	v0 =	vadd.f32 v5, v0;
	_ =	sdelay $0x1  }
0x171: {  	v5 =	vmul.f32 $2.000000030e-01, v0  }
0x172: {  	vm6 =	vge.f32 v0, $0.0e+00  }
0x173: {  	v0 =	vsel vm6, v0, v5  }
0x174: {  	v0 =	vmul.f32 $1.442695020e+00, v0;
	_ =	sdelay $0x1  }
0x175: {  	(erf) = vpow2.f32 v0;
	_ =	sdelay $0x8  }
0x176: {  	v0 =	vpop (erf)  }
0x177: {  	[tilespmem:v46+s20+$0x0] =	vst.idx.msk $0xffff, v0  }
0x178: {  	v0 =	vld.idx.msk [tilespmem:v48+s20+$0x0], $0xffff  }
0x179: {  	v5 =	vld.idx.msk [tilespmem:v49+s29+$0x0], $0xffff;
	_ =	sdelay $0x4  }
0x17a: {  	v0 =	vadd.f32 v5, v0;
	_ =	sdelay $0x1  }
0x17b: {  	v5 =	vmul.f32 $2.000000030e-01, v0  }
0x17c: {  	vm7 =	vge.f32 v0, $0.0e+00  }
0x17d: {  	v0 =	vsel vm7, v0, v5  }
0x17e: {  	v0 =	vmul.f32 $1.442695020e+00, v0;
	_ =	sdelay $0x1  }
0x17f: {  	(erf) = vpow2.f32 v0;
	_ =	sdelay $0x8  }
0x180: {  	v0 =	vpop (erf)  }
0x181: {  	[tilespmem:v48+s20+$0x0] =	vst.idx.msk $0xffff, v0  }
0x182: {  	v0 =	vld.idx.msk [tilespmem:v50+s20+$0x0], $0xffff  }
0x183: {  	v5 =	vld.idx.msk [tilespmem:v51+s29+$0x0], $0xffff;
	_ =	sdelay $0x4  }
0x184: {  	v0 =	vadd.f32 v5, v0;
	_ =	sdelay $0x1  }
0x185: {  	v5 =	vmul.f32 $2.000000030e-01, v0  }
0x186: {  	vm8 =	vge.f32 v0, $0.0e+00  }
0x187: {  	v0 =	vsel vm8, v0, v5  }
0x188: {  	v0 =	vmul.f32 $1.442695020e+00, v0;
	_ =	sdelay $0x1  }
0x189: {  	(erf) = vpow2.f32 v0;
	_ =	sdelay $0x8  }
0x18a: {  	v0 =	vpop (erf)  }
0x18b: {  	[tilespmem:v50+s20+$0x0] =	vst.idx.msk $0xffff, v0  }
0x18c: {  	v0 =	vld.idx.msk [tilespmem:v52+s20+$0x0], $0xffff  }
0x18d: {  	v5 =	vld.idx.msk [tilespmem:v53+s29+$0x0], $0xffff;
	_ =	sdelay $0x4  }
0x18e: {  	v0 =	vadd.f32 v5, v0;
	_ =	sdelay $0x1  }
0x18f: {  	v5 =	vmul.f32 $2.000000030e-01, v0  }
0x190: {  	vm9 =	vge.f32 v0, $0.0e+00  }
0x191: {  	v0 =	vsel vm9, v0, v5  }
0x192: {  	v0 =	vmul.f32 $1.442695020e+00, v0;
	_ =	sdelay $0x1  }
0x193: {  	(erf) = vpow2.f32 v0;
	_ =	sdelay $0x8  }
0x194: {  	v0 =	vpop (erf)  }
0x195: {  	[tilespmem:v52+s20+$0x0] =	vst.idx.msk $0xffff, v0  }
0x196: {  	v0 =	vld.idx.msk [tilespmem:v54+s20+$0x0], $0xffff  }
0x197: {  	v5 =	vld.idx.msk [tilespmem:v55+s29+$0x0], $0xffff;
	_ =	sdelay $0x4  }
0x198: {  	v0 =	vadd.f32 v5, v0;
	_ =	sdelay $0x1  }
0x199: {  	v5 =	vmul.f32 $2.000000030e-01, v0  }
0x19a: {  	vm10 =	vge.f32 v0, $0.0e+00  }
0x19b: {  	v0 =	vsel vm10, v0, v5  }
0x19c: {  	v0 =	vmul.f32 $1.442695020e+00, v0;
	_ =	sdelay $0x1  }
0x19d: {  	(erf) = vpow2.f32 v0;
	_ =	sdelay $0x8  }
0x19e: {  	v0 =	vpop (erf)  }
0x19f: {  	[tilespmem:v54+s20+$0x0] =	vst.idx.msk $0xffff, v0  }
0x1a0: {  	v0 =	vld.idx.msk [tilespmem:v56+s20+$0x0], $0xffff  }
0x1a1: {  	v5 =	vld.idx.msk [tilespmem:v57+s29+$0x0], $0xffff;
	_ =	sdelay $0x4  }
0x1a2: {  	v0 =	vadd.f32 v5, v0;
	_ =	sdelay $0x1  }
0x1a3: {  	v5 =	vmul.f32 $2.000000030e-01, v0  }
0x1a4: {  	vm11 =	vge.f32 v0, $0.0e+00  }
0x1a5: {  	v0 =	vsel vm11, v0, v5  }
0x1a6: {  	v0 =	vmul.f32 $1.442695020e+00, v0;
	_ =	sdelay $0x1  }
0x1a7: {  	(erf) = vpow2.f32 v0;
	_ =	sdelay $0x8  }
0x1a8: {  	v0 =	vpop (erf)  }
0x1a9: {  	[tilespmem:v56+s20+$0x0] =	vst.idx.msk $0xffff, v0  }
0x1aa: {  	v0 =	vld.idx.msk [tilespmem:v58+s20+$0x0], $0xffff  }
0x1ab: {  	v5 =	vld.idx.msk [tilespmem:v59+s29+$0x0], $0xffff;
	_ =	sdelay $0x4  }
0x1ac: {  	v0 =	vadd.f32 v5, v0;
	_ =	sdelay $0x1  }
0x1ad: {  	v5 =	vmul.f32 $2.000000030e-01, v0  }
0x1ae: {  	vm12 =	vge.f32 v0, $0.0e+00  }
0x1af: {  	v0 =	vsel vm12, v0, v5  }
0x1b0: {  	v0 =	vmul.f32 $1.442695020e+00, v0;
	_ =	sdelay $0x1  }
0x1b1: {  	(erf) = vpow2.f32 v0;
	_ =	sdelay $0x8  }
0x1b2: {  	v0 =	vpop (erf)  }
0x1b3: {  	[tilespmem:v58+s20+$0x0] =	vst.idx.msk $0xffff, v0  }
0x1b4: {  	v0 =	vld.idx.msk [tilespmem:v60+s20+$0x0], $0xffff  }
0x1b5: {  	v5 =	vld.idx.msk [tilespmem:v61+s29+$0x0], $0xffff;
	_ =	sdelay $0x4  }
0x1b6: {  	v0 =	vadd.f32 v5, v0;
	_ =	sdelay $0x1  }
0x1b7: {  	v5 =	vmul.f32 $2.000000030e-01, v0  }
0x1b8: {  	vm13 =	vge.f32 v0, $0.0e+00  }
0x1b9: {  	v0 =	vsel vm13, v0, v5  }
0x1ba: {  	v0 =	vmul.f32 $1.442695020e+00, v0;
	_ =	sdelay $0x1  }
0x1bb: {  	(erf) = vpow2.f32 v0;
	_ =	sdelay $0x6  }
0x1bc: {  	v0 =	vor.u32 $0x702, v1;
	_ =	sdelay $0x1  }
0x1bd: {  	v5 =	vpop (erf)  }
0x1be: {  	[tilespmem:v60+s20+$0x0] =	vst.idx.msk $0xffff, v5  }
0x1bf: {  	v5 =	vld.idx.msk [tilespmem:v62+s20+$0x0], $0xffff  }
0x1c0: {  	v0 =	vld.idx.msk [tilespmem:v0+s29+$0x0], $0xffff;
	_ =	sdelay $0x4  }
0x1c1: {  	v0 =	vadd.f32 v0, v5;
	_ =	sdelay $0x1  }
0x1c2: {  	v5 =	vmul.f32 $2.000000030e-01, v0  }
0x1c3: {  	vm14 =	vge.f32 v0, $0.0e+00  }
0x1c4: {  	v0 =	vsel vm14, v0, v5  }
0x1c5: {  	v0 =	vmul.f32 $1.442695020e+00, v0;
	_ =	sdelay $0x1  }
0x1c6: {  	(erf) = vpow2.f32 v0;
	_ =	sdelay $0x5  }
0x1c7: {  	v0 =	vadd.s32 $0x3F83, v27  }
0x1c8: {  	v5 =	vor.u32 $0x703, v1;
	_ =	sdelay $0x1  }
0x1c9: {  	v7 =	vpop (erf)  }
0x1ca: {  	[tilespmem:v62+s20+$0x0] =	vst.idx.msk $0xffff, v7  }
0x1cb: {  	v7 =	vld.idx.msk [tilespmem:v0+s20+$0x0], $0xffff  }
0x1cc: {  	v5 =	vld.idx.msk [tilespmem:v5+s29+$0x0], $0xffff;
	_ =	sdelay $0x4  }
0x1cd: {  	v5 =	vadd.f32 v5, v7;
	_ =	sdelay $0x1  }
0x1ce: {  	v7 =	vmul.f32 $2.000000030e-01, v5  }
0x1cf: {  	vm15 =	vge.f32 v5, $0.0e+00  }
0x1d0: {  	v5 =	vsel vm15, v5, v7  }
0x1d1: {  	v5 =	vmul.f32 $1.442695020e+00, v5;
	_ =	sdelay $0x1  }
0x1d2: {  	(erf) = vpow2.f32 v5;
	_ =	sdelay $0x8  }
0x1d3: {  	v5 =	vpop (erf)  }
0x1d4: {  	s2 =	simm.s32 $0x0;
	[tilespmem:v0+s20+$0x0] =	vst.idx.msk $0xffff, v5  }
0x1d5: {  	v0 =	vld [tilespmem:s2+$0x16880]  }
0x1d6: {  	v13 =	vld [tilespmem:s2+$0x16800]  }
0x1d7: {  	v17 =	vld [tilespmem:s2+$0x16810]  }
0x1d8: {  	v5 =	vld [tilespmem:s2+$0x16820]  }
0x1d9: {  	v7 =	vld [tilespmem:s2+$0x16830]  }
0x1da: {  	v9 =	vld [tilespmem:s2+$0x16840];
	v21 =	vbroadcast v0, $0x0  }
0x1db: {  	v11 =	vld [tilespmem:s2+$0x16850];
	v63 =	vbroadcast v0, $0x2;
	v15 =	vbroadcast v0, $0x1  }
0x1dc: {  	s8 =	simm.s32 $0x240;
	v19 =	vmul.f32 v21, v13;
	v17 =	vmul.f32 v17, v21;
	v13 =	vld [tilespmem:s2+$0x16860]  }
.LBB2_6:
0x1dd: {  	s9 =	sshra.s32 s8, $0x2;
	p0 =	sne.s32 s8, $0x11DC0;
	s8 =	sadd.s32 $0x240, s8;
	v21 =	vld [tilespmem:s2+$0x16870]  }
0x1de: {  	v5 =	vmul.f32 v5, v15;
	v23 =	vld [tilespmem:s9+$0x16880];
	[tilespmem:s2+$0x16800] =	vst v19;
	v7 =	vmul.f32 v7, v15  }
0x1df: {  	v0 =	vbroadcast v0, $0x3;
	v19 =	vld [tilespmem:s9+$0x16800];
	[tilespmem:s2+$0x16810] =	vst v17;
	v9 =	vmul.f32 v9, v63  }
0x1e0: {  	v17 =	vld [tilespmem:s9+$0x16810];
	[tilespmem:s2+$0x16820] =	vst v5;
	v11 =	vmul.f32 v11, v63  }
.Ltmp1:
0x1e1: {  	v5 =	vld [tilespmem:s9+$0x16820];
	[tilespmem:s2+$0x16830] =	vst v7;
	v13 =	vmul.f32 v13, v0;
	(pc) =	sbr.rel @p0 .LBB2_6-.Ltmp1, $4  }
0x1e2: {  	v7 =	vld [tilespmem:s9+$0x16830];
	[tilespmem:s2+$0x16840] =	vst v9;
	v21 =	vmul.f32 v21, v0  }
0x1e3: {  	v25 =	vbroadcast v23, $0x0;
	v9 =	vld [tilespmem:s9+$0x16840];
	v63 =	vbroadcast v23, $0x2;
	[tilespmem:s2+$0x16850] =	vst v11;
	v0 =	vmov v23  }
0x1e4: {  	v15 =	vbroadcast v0, $0x1;
	v11 =	vld [tilespmem:s9+$0x16850];
	[tilespmem:s2+$0x16860] =	vst v13  }
0x1e5: {  	v19 =	vmul.f32 v25, v19;
	v17 =	vmul.f32 v17, v25;
	v13 =	vld [tilespmem:s9+$0x16860];
	[tilespmem:s2+$0x16870] =	vst v21;
	s2 =	smov.u32 s9  }
0x1e6: {  	_ = 	snop  }
0x1e7: {  	v21 =	vld [tilespmem:s2+$0x16870];
	v5 =	vmul.f32 v5, v15;
	[tilespmem:s2+$0x16800] =	vst v19  }
0x1e8: {  	v7 =	vmul.f32 v7, v15;
	[tilespmem:s2+$0x16810] =	vst v17  }
0x1e9: {  	v0 =	vbroadcast v0, $0x3;
	v9 =	vmul.f32 v9, v63;
	[tilespmem:s2+$0x16820] =	vst v5  }
0x1ea: {  	v5 =	vmul.f32 v11, v63;
	[tilespmem:s2+$0x16830] =	vst v7  }
0x1eb: {  	v7 =	vmul.f32 v13, v0;
	[tilespmem:s2+$0x16840] =	vst v9  }
0x1ec: {  	s3 =	sadd.s32 $0x1, s3;
	v0 =	vmul.f32 v21, v0;
	[tilespmem:s2+$0x16850] =	vst v5  }
0x1ed: {  	p0 =	sne.s32 s3, $0x8;
	[tilespmem:s2+$0x16860] =	vst v7  }
.Ltmp2:
0x1ee: {  	[tilespmem:s2+$0x16870] =	vst v0;
	(pc) =	sbr.rel @p0 .LBB2_5-.Ltmp2, $4  }
0x1ef: {  	[spmem:s1] =	stream.indirect.scatter.add.f32 [tilespmem:s20], [sflag:$0x2], $0x90, s28, s23, $0xb8;
	[tilespmem:$0x1C100] =	vst v63  }
0x1f0: {  	_ =	swait.ge [sflag:s21], $0x4800  }
0x1f1: {  	[sflag:s21] =	ssyncset.done $0x0  }
0x1f2: {  	[sflag:s21] =	ssyncadd.s32 $0xFFFFB800  }
0x1f3: {  	s31 =	sadd.s32 $0x1, s31  }
0x1f4: {  	p0 =	sne.s32 s31, $0xB  }
.Ltmp3:
0x1f5: {  	_ = 	snop;
	(pc) =	sbr.rel @p0 .LBB2_4-.Ltmp3, $1  }
0x1f6: {  	_ =	sdelay $0x3  }
0x1f7: {  	s2 =	stileid.u32  }
0x1f8: {  	[bflag:$0x0] =	sbarrier.arrive $0xFFFF;
	s2 =	sshll.u32 s2, $0x6  }
0x1f9: {  	s3 =	rddreg [dreg:$0x4];
	s2 =	sor.u32 $0x1C02, s2  }
0x1fa: {  	[hbm:s3], [sflag:s2] =	dma.local [spmem:s25], $0x2D00  }
0x1fb: {  	_ =	swait.ge [sflag:s21], $0x2D00  }
0x1fc: {  	s4 =	sadd.s32 $0x1, s4;
	s31 =	rddreg [dreg:$0x5]  }
0x1fd: {  	p0 =	sne.s32 s4, s31  }
.Ltmp4:
0x1fe: {  	_ = 	snop;
	(pc) =	sbr.rel @p0 .LBB2_1-.Ltmp4, $3  }
0x1ff: {  	_ =	sdelay $0x1  }
0x200: {  	[sflag:s21] =	ssyncset.done $0x0  }
0x201: {  	[sflag:s21] =	ssyncadd.s32 $0xFFFFD300  }
0x202: {  	_ =	sfence.sel $0x180000  }
0x203: {  	[bflag:$0x0] =	sbarrier.arrive $0xFFFF  }
0x204: {  	_ =	strace $0x90000047  }
0x205: {  	s0 =	stileid.u32;
	[bflag:$0x2] =	sbarrier.arrive $0xFFFF  }
0x206: {  	p0 =	sne.s32 s0, $0x0;
	s0 =	rddreg [dreg:$0x3]  }
0x207: {  	s0 =	sadd.s32 @!p0 $0x100000, s0  }
0x208: {  	[sflag:s0] =	ssyncadd.tile.s32 @!p0 $0x1;
	_ =	shalt  }
.Lfunc_end2:
_tile_overlayer_lowered:
.L_overlay_start_2:
0x209: {  	(tag) =	ssettag $0x2  }
0x20a: {  	s0 =	rddreg [dreg:$0x0];
	s2 =	stileid.u32  }
0x20b: {  	s1 =	rddreg [dreg:$0x1];
	p0 =	sne.s32 s2, $0x0  }
0x20c: {  	s3 =	rddreg [dreg:$0x2];
	[bflag:$0x3] =	sbarrier.arrive $0xFFFF;
	s2 =	simm.s32 @!p0 $0x1C02  }
0x20d: {  	[timem:s3], [sflag:s2] =	dma.local @!p0 [hbm:s0], s1  }
0x20e: {  	s0 =	simm.s32 @!p0 $0x2  }
0x20f: {  	_ =	swait.ge @!p0 [sflag:s0], s1  }
0x210: {  	s1 =	ssub.s32 @!p0 $0x0, s1;
	[sflag:s0] =	ssyncset.done @!p0 $0x0  }
0x211: {  	[sflag:s0] =	ssyncadd.s32 @!p0 s1  }
0x212: {  	[bflag:$0x3] =	sbarrier.arrive $0xFFFF  }
0x213: {  	_ =	shalt  }

</sc_bundles>
